<compile_context>
chip_gen: v7x
topology: tpu7x:2x2x1
jax: 0.10.2.dev20260603
libtpu: 0.0.44.dev20260713+nightly
codegen_flags: <defaults>
</compile_context>

<pallas_src>
import functools

import jax
import jax.numpy as jnp
from jax import lax
from jax.experimental import pallas as pl
from jax.experimental.pallas import tpu as pltpu
from jax.experimental.pallas import tpu_sc as plsc

N = 10000
NNZ = 320000
F = 128
NW = 32
PAIRS_PER_W = NNZ // NW
CHUNK = 80
NCHUNK = PAIRS_PER_W // CHUNK
NPAD = 10240
ROWS_PER_TILE = NPAD // 16

_BLK = 1024
_GRID = NPAD // _BLK


def _mm_body(x_ref, act_ref, w1_ref, b1_ref, m_ref):
    x = x_ref[...]
    a = act_ref[...]
    send = a[:, 0:1] + a[:, 2:3]
    m = lax.dot_general(x * send, w1_ref[...], (((1,), (1,)), ((), ())),
                        preferred_element_type=jnp.float32)
    m_ref[...] = jnp.maximum(m + b1_ref[...], 0.0)


def _tc_matmuls(x, action, W1, b1):
    return pl.pallas_call(
        _mm_body,
        grid=(10,),
        in_specs=[
            pl.BlockSpec((1000, F), lambda i: (i, 0)),
            pl.BlockSpec((1000, 3), lambda i: (i, 0)),
            pl.BlockSpec((F, F), lambda i: (0, 0)),
            pl.BlockSpec((1, F), lambda i: (0, 0)),
        ],
        out_specs=pl.BlockSpec((1000, F), lambda i: (i, 0)),
        out_shape=jax.ShapeDtypeStruct((N, F), jnp.float32),
    )(x, action, W1, b1.reshape(1, F))


def _count_col(cnt_blk):
    c = cnt_blk.reshape(NW, cnt_blk.shape[-1])
    return lax.dot_general(c, jnp.ones((NW, 1), jnp.float32),
                           (((0,), (0,)), ((), ())),
                           preferred_element_type=jnp.float32)


def _mid_body(p_ref, cnt_ref, out_ref):
    s = p_ref[0] + p_ref[1]
    cnt = _count_col(cnt_ref[...])
    out_ref[...] = s / jnp.clip(cnt, 1.0, None)


def _tc_mid(p, cnt):
    return pl.pallas_call(
        _mid_body,
        grid=(_GRID,),
        in_specs=[pl.BlockSpec((2, _BLK, F), lambda i: (0, i, 0)),
                  pl.BlockSpec((NW, 1, _BLK), lambda i: (0, 0, i))],
        out_specs=pl.BlockSpec((_BLK, F), lambda i: (i, 0)),
        out_shape=jax.ShapeDtypeStruct((NPAD, F), jnp.float32),
    )(p, cnt)


def _fin_body(q_ref, cnt_ref, x_ref, act_ref, wup_ref, bup_ref, out_ref):
    s = q_ref[0] + q_ref[1]
    cnt = _count_col(cnt_ref[...])
    m_i = s / jnp.clip(cnt, 1.0, None)
    a = act_ref[...]
    receive = a[:, 0:1] + a[:, 1:2]
    xw = lax.dot_general(x_ref[...], wup_ref[...], (((1,), (1,)), ((), ())),
                         preferred_element_type=jnp.float32)
    out_ref[...] = jnp.maximum(xw + bup_ref[...] + m_i * receive, 0.0)


def _tc_final(q, cnt, x, action, W_up, b_up):
    return pl.pallas_call(
        _fin_body,
        grid=(_GRID,),
        in_specs=[pl.BlockSpec((2, _BLK, F), lambda i: (0, i, 0)),
                  pl.BlockSpec((NW, 1, _BLK), lambda i: (0, 0, i)),
                  pl.BlockSpec((_BLK, F), lambda i: (i, 0)),
                  pl.BlockSpec((_BLK, 3), lambda i: (i, 0)),
                  pl.BlockSpec((F, F), lambda i: (0, 0)),
                  pl.BlockSpec((1, F), lambda i: (0, 0))],
        out_specs=pl.BlockSpec((_BLK, F), lambda i: (i, 0)),
        out_shape=jax.ShapeDtypeStruct((N, F), jnp.float32),
    )(q, cnt, x, action, W_up, b_up.reshape(1, F))


def _sc_body(table_hbm, gidx_hbm, sidx_hbm, zeros_hbm, out_hbm, cnt_hbm,
             gidx_a, gidx_b, sidx_v, rows_a, rows_b, hist_v, acc_sh,
             sem_a, sem_b, sem_ia, sem_ib, sem_sa, sem_sb):
    cid = lax.axis_index("c")
    sid = lax.axis_index("s")
    wid = cid * 16 + sid

    cal, _ = plsc.scan_count(jnp.zeros((16,), jnp.int32))
    delta = 16 - lax.reduce_max(cal, (0,))

    def hist_chunk(i):
        row = sidx_v.at[i]
        for j0 in range(0, CHUNK, 16):
            idx16 = row[pl.ds(j0, 16)]
            rc, last = plsc.scan_count(idx16)
            plsc.addupdate_scatter(hist_v, [idx16],
                                   (rc + delta).astype(jnp.float32),
                                   mask=last)

    def idx_load(i, gidx, sem):
        pltpu.async_copy(gidx_hbm.at[wid].at[jnp.minimum(i, NCHUNK - 1)],
                         gidx, sem)

    def idx_wait(gidx, sem):
        pltpu.make_async_copy(gidx_hbm.at[wid].at[0], gidx, sem).wait()

    def gather(gidx, rows, sem):
        h = CHUNK // 2
        pltpu.async_copy(table_hbm.at[gidx.at[pl.ds(0, h)]],
                         rows.at[pl.ds(0, h)], sem)
        pltpu.async_copy(table_hbm.at[gidx.at[pl.ds(h, h)]],
                         rows.at[pl.ds(h, h)], sem)

    def drain(rows, sem):
        pltpu.make_async_copy(zeros_hbm.at[pl.ds(0, CHUNK)], rows, sem).wait()

    def scatter(i, rows, sem):
        pltpu.async_copy(rows, acc_sh.at[sidx_v.at[i]], sem, add=True)

    idx_load(0, gidx_a, sem_ia)
    idx_wait(gidx_a, sem_ia)
    gather(gidx_a, rows_a, sem_a)
    idx_load(1, gidx_b, sem_ib)

    pltpu.sync_copy(zeros_hbm.at[pl.ds(sid * ROWS_PER_TILE, ROWS_PER_TILE)],
                    acc_sh.at[pl.ds(sid * ROWS_PER_TILE, ROWS_PER_TILE)])
    pltpu.sync_copy(sidx_hbm.at[wid], sidx_v)

    def zero_body(i, carry):
        hist_v[pl.ds(i * 16, 16)] = jnp.zeros((16,), jnp.float32)
        return carry

    lax.fori_loop(0, NPAD // 16, zero_body, 0)
    idx_wait(gidx_b, sem_ib)
    plsc.subcore_barrier()

    def body(k, carry):
        i = 2 * k
        gather(gidx_b, rows_b, sem_b)
        drain(rows_a, sem_a)
        idx_load(i + 2, gidx_a, sem_ia)
        scatter(i, rows_a, sem_sa)
        hist_chunk(i)
        idx_wait(gidx_a, sem_ia)
        drain(rows_a, sem_sa)
        gather(gidx_a, rows_a, sem_a)
        drain(rows_b, sem_b)
        idx_load(i + 3, gidx_b, sem_ib)
        scatter(i + 1, rows_b, sem_sb)
        hist_chunk(i + 1)
        idx_wait(gidx_b, sem_ib)
        drain(rows_b, sem_sb)
        return carry

    lax.fori_loop(0, (NCHUNK - 1) // 2, body, 0)
    drain(rows_a, sem_a)
    scatter(NCHUNK - 1, rows_a, sem_sa)
    hist_chunk(NCHUNK - 1)
    drain(rows_a, sem_sa)
    plsc.subcore_barrier()
    pltpu.sync_copy(acc_sh.at[pl.ds(sid * ROWS_PER_TILE, ROWS_PER_TILE)],
                    out_hbm.at[cid].at[pl.ds(sid * ROWS_PER_TILE, ROWS_PER_TILE)])
    pltpu.sync_copy(hist_v, cnt_hbm.at[wid, 0])


@functools.cache
def _make_sc_agg(table_rows):
    return functools.partial(
        pl.kernel,
        mesh=plsc.VectorSubcoreMesh(core_axis_name="c", subcore_axis_name="s"),
        out_type=(
            jax.ShapeDtypeStruct((2, NPAD, F), jnp.float32),
            jax.ShapeDtypeStruct((NW, 1, NPAD), jnp.float32),
        ),
        compiler_params=pltpu.CompilerParams(needs_layout_passes=False),
        scratch_types=[
            pltpu.VMEM((CHUNK,), jnp.int32),
            pltpu.VMEM((CHUNK,), jnp.int32),
            pltpu.VMEM((NCHUNK, CHUNK), jnp.int32),
            pltpu.VMEM((CHUNK, F), jnp.float32),
            pltpu.VMEM((CHUNK, F), jnp.float32),
            pltpu.VMEM((NPAD,), jnp.float32),
            pltpu.VMEM_SHARED((NPAD, F), jnp.float32),
            pltpu.SemaphoreType.DMA,
            pltpu.SemaphoreType.DMA,
            pltpu.SemaphoreType.DMA,
            pltpu.SemaphoreType.DMA,
            pltpu.SemaphoreType.DMA,
            pltpu.SemaphoreType.DMA,
        ],
    )(_sc_body)


def kernel(x, action, hyperedge_index, W1, b1, W_up, b_up):
    v_idx = hyperedge_index[0].reshape(NW, NCHUNK, CHUNK)
    e_idx = hyperedge_index[1].reshape(NW, NCHUNK, CHUNK)
    zeros = jnp.zeros((NPAD, F), jnp.float32)

    m = _tc_matmuls(x, action, W1, b1)
    p, cnt_e = _make_sc_agg(N)(m, v_idx, e_idx, zeros)
    e_tab = _tc_mid(p, cnt_e)
    q, cnt_v = _make_sc_agg(NPAD)(e_tab, e_idx, v_idx, zeros)
    return _tc_final(q, cnt_v, x, action, W_up, b_up)

# --- scband reference (transcript-rebuilt; emitter-appended) ---
"""Pipeline reference for scband-environment-network-84378927497725 (READ-ONLY COPY).

The authoritative reference and input builder live on the scoring server;
editing this copy changes nothing except your own understanding.
"""

import jax, jax.numpy as jnp
import numpy as np

N_NODES = 10000
N_EDGES = 10000
NNZ = 320000
F = 128

def setup_inputs(seed: int = 0) -> dict:
    key = jax.random.key(seed)
    ks = jax.random.split(key, 8)
    x = jax.random.normal(ks[0], (N_NODES, F), dtype=jnp.float32)
    action = jax.random.uniform(ks[1], (N_NODES, 3), dtype=jnp.float32)
    hyperedge_index = jax.random.randint(ks[2], (2, NNZ), 0, N_NODES).astype(jnp.int32)
    W1 = jax.random.normal(ks[3], (F, F), dtype=jnp.float32) * 0.05
    b1 = jnp.zeros((F,), dtype=jnp.float32)
    W_up = jax.random.normal(ks[4], (F, F), dtype=jnp.float32) * 0.05
    b_up = jnp.zeros((F,), dtype=jnp.float32)
    return {"x": x, "action": action, "hyperedge_index": hyperedge_index,
            "W1": W1, "b1": b1, "W_up": W_up, "b_up": b_up}

def _v2v_mean(m, v_idx, e_idx):
    # vertex -> hyperedge mean aggregation
    ones = jnp.ones((v_idx.shape[0],), dtype=m.dtype)
    e_sum = jax.ops.segment_sum(m[v_idx], e_idx, num_segments=N_EDGES)
    e_cnt = jax.ops.segment_sum(ones, e_idx, num_segments=N_EDGES)
    e_feat = e_sum / jnp.clip(e_cnt, 1.0, None)[:, None]
    # hyperedge -> vertex mean aggregation
    v_sum = jax.ops.segment_sum(e_feat[e_idx], v_idx, num_segments=N_NODES)
    v_cnt = jax.ops.segment_sum(ones, v_idx, num_segments=N_NODES)
    return v_sum / jnp.clip(v_cnt, 1.0, None)[:, None]

def reference(x, action, hyperedge_index, W1, b1, W_up, b_up):
    send = action[:, 0] + action[:, 2]
    receive = action[:, 0] + action[:, 1]
    m_ji = x * send[:, None]
    # layers: Linear(F, F) then ReLU (layer_dims=[] -> single hidden mapping)
    m_ji = jax.nn.relu(m_ji @ W1.T + b1)
    # dropout is identity in eval mode
    v_idx = hyperedge_index[0]
    e_idx = hyperedge_index[1]
    m_i = _v2v_mean(m_ji, v_idx, e_idx)
    m_i = m_i * receive[:, None]
    h_i = (x @ W_up.T + b_up) + m_i
    return jax.nn.relu(h_i)

if __name__ == "__main__":
    import jax
    _d = setup_inputs()
    print(jax.jit(kernel)(*tuple(_d.values())))

</pallas_src>

<mosaic_0001>
#map = affine_map<(d0, d1) -> (0, 0)>
#map1 = affine_map<(d0, d1) -> (0, 0, 0)>
module attributes {stable_mosaic.version = 14 : i64} {
  func.func @_sc_body(%arg0: i32, %arg1: i32, %arg2: memref<10240x128xf32, #tpu.memory_space<hbm>>, %arg3: memref<32x125x80xi32, #tpu.memory_space<hbm>>, %arg4: memref<32x125x80xi32, #tpu.memory_space<hbm>>, %arg5: memref<10240x128xf32, #tpu.memory_space<hbm>>, %arg6: memref<2x10240x128xf32, #tpu.memory_space<hbm>>, %arg7: memref<32x1x10240xf32, #tpu.memory_space<hbm>>, %arg8: memref<80xi32, #tpu.memory_space<vmem>>, %arg9: memref<80xi32, #tpu.memory_space<vmem>>, %arg10: memref<125x80xi32, #tpu.memory_space<vmem>>, %arg11: memref<80x128xf32, #tpu.memory_space<vmem>>, %arg12: memref<80x128xf32, #tpu.memory_space<vmem>>, %arg13: memref<10240xf32, #tpu.memory_space<vmem>>, %arg14: memref<10240x128xf32, #tpu.memory_space<vmem_shared>>, %arg15: memref<!tpu.dma_semaphore, #tpu.memory_space<semaphore_mem>>, %arg16: memref<!tpu.dma_semaphore, #tpu.memory_space<semaphore_mem>>, %arg17: memref<!tpu.dma_semaphore, #tpu.memory_space<semaphore_mem>>, %arg18: memref<!tpu.dma_semaphore, #tpu.memory_space<semaphore_mem>>, %arg19: memref<!tpu.dma_semaphore, #tpu.memory_space<semaphore_mem>>, %arg20: memref<!tpu.dma_semaphore, #tpu.memory_space<semaphore_mem>>) attributes {dimension_semantics = [#tpu.dimension_semantics<core_parallel>, #tpu.dimension_semantics<subcore_parallel>], iteration_bounds = array<i64: 2, 16>, scalar_prefetch = 0 : i64, scratch_operands = 13 : i64, tpu.core_type = #tpu.core_type<sc_vector_subcore>, window_params = [{transform_indices = #map}, {transform_indices = #map1}, {transform_indices = #map1}, {transform_indices = #map}, {transform_indices = #map1}, {transform_indices = #map1}]} {
    %mul3A = arith.constant 16 : i32
    %mul3A_0 = arith.muli %arg0, %mul3A : i32
    %add3A = arith.addi %mul3A_0, %arg1 : i32
    %broadcast_in_dim3A = arith.constant 0 : i32
    %broadcast_in_dim3A_1 = vector.broadcast %broadcast_in_dim3A : i32 to vector<16xi32>
    %broadcast_in_dim3A_2 = arith.constant true
    %broadcast_in_dim3A_3 = vector.broadcast %broadcast_in_dim3A_2 : i1 to vector<16xi1>
    %unique3A, %unique3A_4 = tpu.scan_count mask(%broadcast_in_dim3A_3 : vector<16xi1>) value(%broadcast_in_dim3A_1 : vector<16xi32>) : vector<16xi1>, vector<16xi32>
    %reduce_max3A = arith.constant true
    %reduce_max3A_5 = vector.broadcast %reduce_max3A : i1 to vector<16xi1>
    %reduce_max3A_6 = arith.constant -2147483648 : i32
    %reduce_max3A_7 = vector.broadcast %reduce_max3A_6 : i32 to vector<16xi32>
    %reduce_max3A_8 = arith.xori %unique3A_4, %reduce_max3A_7 : vector<16xi32>
    %reduce_max3A_9 = tpu.scan <max>, %reduce_max3A_8 masked %reduce_max3A_5 : vector<16xi32>, vector<16xi1> -> vector<16xi32>
    %reduce_max3A_10 = arith.xori %reduce_max3A_9, %reduce_max3A_7 : vector<16xi32>
    %reduce_max3A_11 = vector.extract %reduce_max3A_10[15] : i32 from vector<16xi32>
    %sub3A = arith.constant 16 : i32
    %sub3A_12 = arith.subi %sub3A, %reduce_max3A_11 : i32
    %min3A = arith.constant 0 : i32
    %min3A_13 = arith.constant 124 : i32
    %min3A_14 = arith.minsi %min3A, %min3A_13 : i32
    %dma_start3A = arith.constant 0 : i32
    %dma_start3A_15 = arith.constant 0 : i32
    %dma_start3A_16 = tpu.memref_slice %arg3[%add3A, %dma_start3A, %dma_start3A_15] : memref<32x125x80xi32, #tpu.memory_space<hbm>> -> memref<1x125x80xi32, #tpu.memory_space<hbm>>
    %dma_start3A_17 = tpu.memref_squeeze %dma_start3A_16 : memref<1x125x80xi32, #tpu.memory_space<hbm>> -> memref<125x80xi32, #tpu.memory_space<hbm>>
    %dma_start3A_18 = arith.constant 0 : i32
    %dma_start3A_19 = tpu.memref_slice %dma_start3A_17[%min3A_14, %dma_start3A_18] : memref<125x80xi32, #tpu.memory_space<hbm>> -> memref<1x80xi32, #tpu.memory_space<hbm>>
    %dma_start3A_20 = tpu.memref_squeeze %dma_start3A_19 : memref<1x80xi32, #tpu.memory_space<hbm>> -> memref<80xi32, #tpu.memory_space<hbm>>
    %dma_start3A_21 = arith.constant 0 : i32
    %dma_start3A_22 = arith.constant 0 : i32
    %dma_start3A_23 = tpu.memref_slice %arg3[%add3A, %dma_start3A_21, %dma_start3A_22] : memref<32x125x80xi32, #tpu.memory_space<hbm>> -> memref<1x125x80xi32, #tpu.memory_space<hbm>>
    %dma_start3A_24 = tpu.memref_squeeze %dma_start3A_23 : memref<1x125x80xi32, #tpu.memory_space<hbm>> -> memref<125x80xi32, #tpu.memory_space<hbm>>
    %dma_start3A_25 = arith.constant 0 : i32
    %dma_start3A_26 = tpu.memref_slice %dma_start3A_24[%min3A_14, %dma_start3A_25] : memref<125x80xi32, #tpu.memory_space<hbm>> -> memref<1x80xi32, #tpu.memory_space<hbm>>
    %dma_start3A_27 = tpu.memref_squeeze %dma_start3A_26 : memref<1x80xi32, #tpu.memory_space<hbm>> -> memref<80xi32, #tpu.memory_space<hbm>>
    tpu.enqueue_dma source(%dma_start3A_27 : memref<80xi32, #tpu.memory_space<hbm>>) target(%arg8 : memref<80xi32, #tpu.memory_space<vmem>>) target_semaphore(%arg17 : memref<!tpu.dma_semaphore, #tpu.memory_space<semaphore_mem>>)
    %dma_wait3A = arith.constant 0 : i32
    %dma_wait3A_28 = arith.constant 0 : i32
    %dma_wait3A_29 = arith.constant 0 : i32
    %dma_wait3A_30 = tpu.memref_slice %arg3[%add3A, %dma_wait3A_28, %dma_wait3A_29] : memref<32x125x80xi32, #tpu.memory_space<hbm>> -> memref<1x125x80xi32, #tpu.memory_space<hbm>>
    %dma_wait3A_31 = tpu.memref_squeeze %dma_wait3A_30 : memref<1x125x80xi32, #tpu.memory_space<hbm>> -> memref<125x80xi32, #tpu.memory_space<hbm>>
    %dma_wait3A_32 = arith.constant 0 : i32
    %dma_wait3A_33 = tpu.memref_slice %dma_wait3A_31[%dma_wait3A, %dma_wait3A_32] : memref<125x80xi32, #tpu.memory_space<hbm>> -> memref<1x80xi32, #tpu.memory_space<hbm>>
    %dma_wait3A_34 = tpu.memref_squeeze %dma_wait3A_33 : memref<1x80xi32, #tpu.memory_space<hbm>> -> memref<80xi32, #tpu.memory_space<hbm>>
    %dma_wait3A_35 = arith.constant 0 : i32
    %dma_wait3A_36 = arith.constant 0 : i32
    %dma_wait3A_37 = tpu.memref_slice %arg3[%add3A, %dma_wait3A_35, %dma_wait3A_36] : memref<32x125x80xi32, #tpu.memory_space<hbm>> -> memref<1x125x80xi32, #tpu.memory_space<hbm>>
    %dma_wait3A_38 = tpu.memref_squeeze %dma_wait3A_37 : memref<1x125x80xi32, #tpu.memory_space<hbm>> -> memref<125x80xi32, #tpu.memory_space<hbm>>
    %dma_wait3A_39 = arith.constant 0 : i32
    %dma_wait3A_40 = tpu.memref_slice %dma_wait3A_38[%dma_wait3A, %dma_wait3A_39] : memref<125x80xi32, #tpu.memory_space<hbm>> -> memref<1x80xi32, #tpu.memory_space<hbm>>
    %dma_wait3A_41 = tpu.memref_squeeze %dma_wait3A_40 : memref<1x80xi32, #tpu.memory_space<hbm>> -> memref<80xi32, #tpu.memory_space<hbm>>
    tpu.wait_dma2 semaphore(%arg17 : memref<!tpu.dma_semaphore, #tpu.memory_space<semaphore_mem>>) src(%dma_wait3A_41 : memref<80xi32, #tpu.memory_space<hbm>>) dst(%arg8 : memref<80xi32, #tpu.memory_space<vmem>>)
    %dma_start3A_42 = arith.constant 0 : i32
    %dma_start3A_43 = arith.constant 0 : i32
    %dma_start3A_44 = tpu.memref_slice %arg11[%dma_start3A_42, %dma_start3A_43] : memref<80x128xf32, #tpu.memory_space<vmem>> -> memref<40x128xf32, #tpu.memory_space<vmem>>
    %dma_start3A_45 = arith.constant 0 : i32
    %dma_start3A_46 = tpu.memref_slice %arg8[%dma_start3A_45] : memref<80xi32, #tpu.memory_space<vmem>> -> memref<40xi32, #tpu.memory_space<vmem>>
    %dma_start3A_47 = arith.constant 0 : i32
    %dma_start3A_48 = arith.constant 0 : i32
    %dma_start3A_49 = tpu.memref_slice %arg2[%dma_start3A_47, %dma_start3A_48] : memref<10240x128xf32, #tpu.memory_space<hbm>> -> memref<10240x128xf32, #tpu.memory_space<hbm>>
    tpu.enqueue_indirect_dma source(%dma_start3A_49 : memref<10240x128xf32, #tpu.memory_space<hbm>>) target(%dma_start3A_44 : memref<40x128xf32, #tpu.memory_space<vmem>>) offsets(%dma_start3A_46 : memref<40xi32, #tpu.memory_space<vmem>>) semaphore(%arg15 : memref<!tpu.dma_semaphore, #tpu.memory_space<semaphore_mem>>)
    %dma_start3A_50 = arith.constant 40 : i32
    %dma_start3A_51 = arith.constant 0 : i32
    %dma_start3A_52 = tpu.memref_slice %arg11[%dma_start3A_50, %dma_start3A_51] : memref<80x128xf32, #tpu.memory_space<vmem>> -> memref<40x128xf32, #tpu.memory_space<vmem>>
    %dma_start3A_53 = arith.constant 40 : i32
    %dma_start3A_54 = tpu.memref_slice %arg8[%dma_start3A_53] : memref<80xi32, #tpu.memory_space<vmem>> -> memref<40xi32, #tpu.memory_space<vmem>>
    %dma_start3A_55 = arith.constant 0 : i32
    %dma_start3A_56 = arith.constant 0 : i32
    %dma_start3A_57 = tpu.memref_slice %arg2[%dma_start3A_55, %dma_start3A_56] : memref<10240x128xf32, #tpu.memory_space<hbm>> -> memref<10240x128xf32, #tpu.memory_space<hbm>>
    tpu.enqueue_indirect_dma source(%dma_start3A_57 : memref<10240x128xf32, #tpu.memory_space<hbm>>) target(%dma_start3A_52 : memref<40x128xf32, #tpu.memory_space<vmem>>) offsets(%dma_start3A_54 : memref<40xi32, #tpu.memory_space<vmem>>) semaphore(%arg15 : memref<!tpu.dma_semaphore, #tpu.memory_space<semaphore_mem>>)
    %min3A_58 = arith.constant 1 : i32
    %min3A_59 = arith.constant 124 : i32
    %min3A_60 = arith.minsi %min3A_58, %min3A_59 : i32
    %dma_start3A_61 = arith.constant 0 : i32
    %dma_start3A_62 = arith.constant 0 : i32
    %dma_start3A_63 = tpu.memref_slice %arg3[%add3A, %dma_start3A_61, %dma_start3A_62] : memref<32x125x80xi32, #tpu.memory_space<hbm>> -> memref<1x125x80xi32, #tpu.memory_space<hbm>>
    %dma_start3A_64 = tpu.memref_squeeze %dma_start3A_63 : memref<1x125x80xi32, #tpu.memory_space<hbm>> -> memref<125x80xi32, #tpu.memory_space<hbm>>
    %dma_start3A_65 = arith.constant 0 : i32
    %dma_start3A_66 = tpu.memref_slice %dma_start3A_64[%min3A_60, %dma_start3A_65] : memref<125x80xi32, #tpu.memory_space<hbm>> -> memref<1x80xi32, #tpu.memory_space<hbm>>
    %dma_start3A_67 = tpu.memref_squeeze %dma_start3A_66 : memref<1x80xi32, #tpu.memory_space<hbm>> -> memref<80xi32, #tpu.memory_space<hbm>>
    %dma_start3A_68 = arith.constant 0 : i32
    %dma_start3A_69 = arith.constant 0 : i32
    %dma_start3A_70 = tpu.memref_slice %arg3[%add3A, %dma_start3A_68, %dma_start3A_69] : memref<32x125x80xi32, #tpu.memory_space<hbm>> -> memref<1x125x80xi32, #tpu.memory_space<hbm>>
    %dma_start3A_71 = tpu.memref_squeeze %dma_start3A_70 : memref<1x125x80xi32, #tpu.memory_space<hbm>> -> memref<125x80xi32, #tpu.memory_space<hbm>>
    %dma_start3A_72 = arith.constant 0 : i32
    %dma_start3A_73 = tpu.memref_slice %dma_start3A_71[%min3A_60, %dma_start3A_72] : memref<125x80xi32, #tpu.memory_space<hbm>> -> memref<1x80xi32, #tpu.memory_space<hbm>>
    %dma_start3A_74 = tpu.memref_squeeze %dma_start3A_73 : memref<1x80xi32, #tpu.memory_space<hbm>> -> memref<80xi32, #tpu.memory_space<hbm>>
    tpu.enqueue_dma source(%dma_start3A_74 : memref<80xi32, #tpu.memory_space<hbm>>) target(%arg9 : memref<80xi32, #tpu.memory_space<vmem>>) target_semaphore(%arg18 : memref<!tpu.dma_semaphore, #tpu.memory_space<semaphore_mem>>)
    %mul3A_75 = arith.constant 640 : i32
    %mul3A_76 = arith.muli %arg1, %mul3A_75 : i32
    %mul3A_77 = arith.constant 640 : i32
    %mul3A_78 = arith.muli %arg1, %mul3A_77 : i32
    "tpu.region"() ({
      %run_scoped3A_192 = tpu.sem_alloc : memref<!tpu.dma_semaphore, #tpu.memory_space<semaphore_mem>>
      %dma_start3A_193 = arith.constant 0 : i32
      %dma_start3A_194 = tpu.memref_slice %arg14[%mul3A_78, %dma_start3A_193] : memref<10240x128xf32, #tpu.memory_space<vmem_shared>> -> memref<640x128xf32, #tpu.memory_space<vmem_shared>>
      %dma_start3A_195 = arith.constant 0 : i32
      %dma_start3A_196 = tpu.memref_slice %arg5[%mul3A_76, %dma_start3A_195] : memref<10240x128xf32, #tpu.memory_space<hbm>> -> memref<640x128xf32, #tpu.memory_space<hbm>>
      tpu.enqueue_dma source(%dma_start3A_196 : memref<640x128xf32, #tpu.memory_space<hbm>>) target(%dma_start3A_194 : memref<640x128xf32, #tpu.memory_space<vmem_shared>>) target_semaphore(%run_scoped3A_192 : memref<!tpu.dma_semaphore, #tpu.memory_space<semaphore_mem>>)
      %dma_wait3A_197 = arith.constant 0 : i32
      %dma_wait3A_198 = tpu.memref_slice %arg14[%mul3A_78, %dma_wait3A_197] : memref<10240x128xf32, #tpu.memory_space<vmem_shared>> -> memref<640x128xf32, #tpu.memory_space<vmem_shared>>
      %dma_wait3A_199 = arith.constant 0 : i32
      %dma_wait3A_200 = tpu.memref_slice %arg5[%mul3A_76, %dma_wait3A_199] : memref<10240x128xf32, #tpu.memory_space<hbm>> -> memref<640x128xf32, #tpu.memory_space<hbm>>
      tpu.wait_dma2 semaphore(%run_scoped3A_192 : memref<!tpu.dma_semaphore, #tpu.memory_space<semaphore_mem>>) src(%dma_wait3A_200 : memref<640x128xf32, #tpu.memory_space<hbm>>) dst(%dma_wait3A_198 : memref<640x128xf32, #tpu.memory_space<vmem_shared>>)
      tpu.yield
    }) : () -> ()
    "tpu.region"() ({
      %run_scoped3A_192 = tpu.sem_alloc : memref<!tpu.dma_semaphore, #tpu.memory_space<semaphore_mem>>
      %dma_start3A_193 = arith.constant 0 : i32
      %dma_start3A_194 = arith.constant 0 : i32
      %dma_start3A_195 = tpu.memref_slice %arg4[%add3A, %dma_start3A_193, %dma_start3A_194] : memref<32x125x80xi32, #tpu.memory_space<hbm>> -> memref<1x125x80xi32, #tpu.memory_space<hbm>>
      %dma_start3A_196 = tpu.memref_squeeze %dma_start3A_195 : memref<1x125x80xi32, #tpu.memory_space<hbm>> -> memref<125x80xi32, #tpu.memory_space<hbm>>
      %dma_start3A_197 = arith.constant 0 : i32
      %dma_start3A_198 = arith.constant 0 : i32
      %dma_start3A_199 = tpu.memref_slice %arg4[%add3A, %dma_start3A_197, %dma_start3A_198] : memref<32x125x80xi32, #tpu.memory_space<hbm>> -> memref<1x125x80xi32, #tpu.memory_space<hbm>>
      %dma_start3A_200 = tpu.memref_squeeze %dma_start3A_199 : memref<1x125x80xi32, #tpu.memory_space<hbm>> -> memref<125x80xi32, #tpu.memory_space<hbm>>
      tpu.enqueue_dma source(%dma_start3A_200 : memref<125x80xi32, #tpu.memory_space<hbm>>) target(%arg10 : memref<125x80xi32, #tpu.memory_space<vmem>>) target_semaphore(%run_scoped3A_192 : memref<!tpu.dma_semaphore, #tpu.memory_space<semaphore_mem>>)
      %dma_wait3A_201 = arith.constant 0 : i32
      %dma_wait3A_202 = arith.constant 0 : i32
      %dma_wait3A_203 = tpu.memref_slice %arg4[%add3A, %dma_wait3A_201, %dma_wait3A_202] : memref<32x125x80xi32, #tpu.memory_space<hbm>> -> memref<1x125x80xi32, #tpu.memory_space<hbm>>
      %dma_wait3A_204 = tpu.memref_squeeze %dma_wait3A_203 : memref<1x125x80xi32, #tpu.memory_space<hbm>> -> memref<125x80xi32, #tpu.memory_space<hbm>>
      %dma_wait3A_205 = arith.constant 0 : i32
      %dma_wait3A_206 = arith.constant 0 : i32
      %dma_wait3A_207 = tpu.memref_slice %arg4[%add3A, %dma_wait3A_205, %dma_wait3A_206] : memref<32x125x80xi32, #tpu.memory_space<hbm>> -> memref<1x125x80xi32, #tpu.memory_space<hbm>>
      %dma_wait3A_208 = tpu.memref_squeeze %dma_wait3A_207 : memref<1x125x80xi32, #tpu.memory_space<hbm>> -> memref<125x80xi32, #tpu.memory_space<hbm>>
      tpu.wait_dma2 semaphore(%run_scoped3A_192 : memref<!tpu.dma_semaphore, #tpu.memory_space<semaphore_mem>>) src(%dma_wait3A_208 : memref<125x80xi32, #tpu.memory_space<hbm>>) dst(%arg10 : memref<125x80xi32, #tpu.memory_space<vmem>>)
      tpu.yield
    }) : () -> ()
    %scan3A = arith.constant 0 : i32
    %scan3A_79 = arith.constant 0 : i32
    %scan3A_80 = arith.constant 640 : i32
    %scan3A_81 = arith.addi %scan3A_79, %scan3A_80 : i32
    %scan3A_82 = arith.constant 1 : i32
    scf.for %scan3A_192 = %scan3A_79 to %scan3A_81 step %scan3A_82  : i32 {
      %broadcast_in_dim3A_193 = arith.constant 0.000000e+00 : f32
      %broadcast_in_dim3A_194 = vector.broadcast %broadcast_in_dim3A_193 : f32 to vector<16xf32>
      %mul3A_195 = arith.constant 16 : i32
      %mul3A_196 = arith.muli %scan3A_192, %mul3A_195 : i32
      %swap3A = arith.index_cast %mul3A_196 : i32 to index
      %swap3A_197 = tpu.vector_load %arg13[%swap3A] {strides = array<i32>} : memref<10240xf32, #tpu.memory_space<vmem>>, vector<16xf32>,
      tpu.vector_store %arg13[%swap3A], %broadcast_in_dim3A_194 {strides = array<i32>} : memref<10240xf32, #tpu.memory_space<vmem>>, vector<16xf32>,
    }
    %scan3A_83 = arith.constant 640 : i32
    %dma_wait3A_84 = arith.constant 0 : i32
    %dma_wait3A_85 = arith.constant 0 : i32
    %dma_wait3A_86 = arith.constant 0 : i32
    %dma_wait3A_87 = tpu.memref_slice %arg3[%add3A, %dma_wait3A_85, %dma_wait3A_86] : memref<32x125x80xi32, #tpu.memory_space<hbm>> -> memref<1x125x80xi32, #tpu.memory_space<hbm>>
    %dma_wait3A_88 = tpu.memref_squeeze %dma_wait3A_87 : memref<1x125x80xi32, #tpu.memory_space<hbm>> -> memref<125x80xi32, #tpu.memory_space<hbm>>
    %dma_wait3A_89 = arith.constant 0 : i32
    %dma_wait3A_90 = tpu.memref_slice %dma_wait3A_88[%dma_wait3A_84, %dma_wait3A_89] : memref<125x80xi32, #tpu.memory_space<hbm>> -> memref<1x80xi32, #tpu.memory_space<hbm>>
    %dma_wait3A_91 = tpu.memref_squeeze %dma_wait3A_90 : memref<1x80xi32, #tpu.memory_space<hbm>> -> memref<80xi32, #tpu.memory_space<hbm>>
    %dma_wait3A_92 = arith.constant 0 : i32
    %dma_wait3A_93 = arith.constant 0 : i32
    %dma_wait3A_94 = tpu.memref_slice %arg3[%add3A, %dma_wait3A_92, %dma_wait3A_93] : memref<32x125x80xi32, #tpu.memory_space<hbm>> -> memref<1x125x80xi32, #tpu.memory_space<hbm>>
    %dma_wait3A_95 = tpu.memref_squeeze %dma_wait3A_94 : memref<1x125x80xi32, #tpu.memory_space<hbm>> -> memref<125x80xi32, #tpu.memory_space<hbm>>
    %dma_wait3A_96 = arith.constant 0 : i32
    %dma_wait3A_97 = tpu.memref_slice %dma_wait3A_95[%dma_wait3A_84, %dma_wait3A_96] : memref<125x80xi32, #tpu.memory_space<hbm>> -> memref<1x80xi32, #tpu.memory_space<hbm>>
    %dma_wait3A_98 = tpu.memref_squeeze %dma_wait3A_97 : memref<1x80xi32, #tpu.memory_space<hbm>> -> memref<80xi32, #tpu.memory_space<hbm>>
    tpu.wait_dma2 semaphore(%arg18 : memref<!tpu.dma_semaphore, #tpu.memory_space<semaphore_mem>>) src(%dma_wait3A_98 : memref<80xi32, #tpu.memory_space<hbm>>) dst(%arg9 : memref<80xi32, #tpu.memory_space<vmem>>)
    %barrier3A = arith.constant 0 : index
    tpu.barrier barrier_id(%barrier3A)
    %scan3A_99 = arith.constant 0 : i32
    %scan3A_100 = arith.constant 0 : i32
    %scan3A_101 = arith.constant 62 : i32
    %scan3A_102 = arith.addi %scan3A_100, %scan3A_101 : i32
    %scan3A_103 = arith.constant 1 : i32
    scf.for %scan3A_192 = %scan3A_100 to %scan3A_102 step %scan3A_103  : i32 {
      %mul3A_193 = arith.constant 2 : i32
      %mul3A_194 = arith.muli %mul3A_193, %scan3A_192 : i32
      %dma_start3A_195 = arith.constant 0 : i32
      %dma_start3A_196 = arith.constant 0 : i32
      %dma_start3A_197 = tpu.memref_slice %arg12[%dma_start3A_195, %dma_start3A_196] : memref<80x128xf32, #tpu.memory_space<vmem>> -> memref<40x128xf32, #tpu.memory_space<vmem>>
      %dma_start3A_198 = arith.constant 0 : i32
      %dma_start3A_199 = tpu.memref_slice %arg9[%dma_start3A_198] : memref<80xi32, #tpu.memory_space<vmem>> -> memref<40xi32, #tpu.memory_space<vmem>>
      %dma_start3A_200 = arith.constant 0 : i32
      %dma_start3A_201 = arith.constant 0 : i32
      %dma_start3A_202 = tpu.memref_slice %arg2[%dma_start3A_200, %dma_start3A_201] : memref<10240x128xf32, #tpu.memory_space<hbm>> -> memref<10240x128xf32, #tpu.memory_space<hbm>>
      tpu.enqueue_indirect_dma source(%dma_start3A_202 : memref<10240x128xf32, #tpu.memory_space<hbm>>) target(%dma_start3A_197 : memref<40x128xf32, #tpu.memory_space<vmem>>) offsets(%dma_start3A_199 : memref<40xi32, #tpu.memory_space<vmem>>) semaphore(%arg16 : memref<!tpu.dma_semaphore, #tpu.memory_space<semaphore_mem>>)
      %dma_start3A_203 = arith.constant 40 : i32
      %dma_start3A_204 = arith.constant 0 : i32
      %dma_start3A_205 = tpu.memref_slice %arg12[%dma_start3A_203, %dma_start3A_204] : memref<80x128xf32, #tpu.memory_space<vmem>> -> memref<40x128xf32, #tpu.memory_space<vmem>>
      %dma_start3A_206 = arith.constant 40 : i32
      %dma_start3A_207 = tpu.memref_slice %arg9[%dma_start3A_206] : memref<80xi32, #tpu.memory_space<vmem>> -> memref<40xi32, #tpu.memory_space<vmem>>
      %dma_start3A_208 = arith.constant 0 : i32
      %dma_start3A_209 = arith.constant 0 : i32
      %dma_start3A_210 = tpu.memref_slice %arg2[%dma_start3A_208, %dma_start3A_209] : memref<10240x128xf32, #tpu.memory_space<hbm>> -> memref<10240x128xf32, #tpu.memory_space<hbm>>
      tpu.enqueue_indirect_dma source(%dma_start3A_210 : memref<10240x128xf32, #tpu.memory_space<hbm>>) target(%dma_start3A_205 : memref<40x128xf32, #tpu.memory_space<vmem>>) offsets(%dma_start3A_207 : memref<40xi32, #tpu.memory_space<vmem>>) semaphore(%arg16 : memref<!tpu.dma_semaphore, #tpu.memory_space<semaphore_mem>>)
      %dma_wait3A_211 = arith.constant 0 : i32
      %dma_wait3A_212 = arith.constant 0 : i32
      %dma_wait3A_213 = tpu.memref_slice %arg5[%dma_wait3A_211, %dma_wait3A_212] : memref<10240x128xf32, #tpu.memory_space<hbm>> -> memref<80x128xf32, #tpu.memory_space<hbm>>
      %dma_wait3A_214 = arith.constant 0 : i32
      %dma_wait3A_215 = arith.constant 0 : i32
      %dma_wait3A_216 = tpu.memref_slice %arg5[%dma_wait3A_214, %dma_wait3A_215] : memref<10240x128xf32, #tpu.memory_space<hbm>> -> memref<80x128xf32, #tpu.memory_space<hbm>>
      tpu.wait_dma2 semaphore(%arg15 : memref<!tpu.dma_semaphore, #tpu.memory_space<semaphore_mem>>) src(%dma_wait3A_216 : memref<80x128xf32, #tpu.memory_space<hbm>>) dst(%arg11 : memref<80x128xf32, #tpu.memory_space<vmem>>)
      %add3A_217 = arith.constant 2 : i32
      %add3A_218 = arith.addi %mul3A_194, %add3A_217 : i32
      %min3A_219 = arith.constant 124 : i32
      %min3A_220 = arith.minsi %add3A_218, %min3A_219 : i32
      %dma_start3A_221 = arith.constant 0 : i32
      %dma_start3A_222 = arith.constant 0 : i32
      %dma_start3A_223 = tpu.memref_slice %arg3[%add3A, %dma_start3A_221, %dma_start3A_222] : memref<32x125x80xi32, #tpu.memory_space<hbm>> -> memref<1x125x80xi32, #tpu.memory_space<hbm>>
      %dma_start3A_224 = tpu.memref_squeeze %dma_start3A_223 : memref<1x125x80xi32, #tpu.memory_space<hbm>> -> memref<125x80xi32, #tpu.memory_space<hbm>>
      %dma_start3A_225 = arith.constant 0 : i32
      %dma_start3A_226 = tpu.memref_slice %dma_start3A_224[%min3A_220, %dma_start3A_225] : memref<125x80xi32, #tpu.memory_space<hbm>> -> memref<1x80xi32, #tpu.memory_space<hbm>>
      %dma_start3A_227 = tpu.memref_squeeze %dma_start3A_226 : memref<1x80xi32, #tpu.memory_space<hbm>> -> memref<80xi32, #tpu.memory_space<hbm>>
      %dma_start3A_228 = arith.constant 0 : i32
      %dma_start3A_229 = arith.constant 0 : i32
      %dma_start3A_230 = tpu.memref_slice %arg3[%add3A, %dma_start3A_228, %dma_start3A_229] : memref<32x125x80xi32, #tpu.memory_space<hbm>> -> memref<1x125x80xi32, #tpu.memory_space<hbm>>
      %dma_start3A_231 = tpu.memref_squeeze %dma_start3A_230 : memref<1x125x80xi32, #tpu.memory_space<hbm>> -> memref<125x80xi32, #tpu.memory_space<hbm>>
      %dma_start3A_232 = arith.constant 0 : i32
      %dma_start3A_233 = tpu.memref_slice %dma_start3A_231[%min3A_220, %dma_start3A_232] : memref<125x80xi32, #tpu.memory_space<hbm>> -> memref<1x80xi32, #tpu.memory_space<hbm>>
      %dma_start3A_234 = tpu.memref_squeeze %dma_start3A_233 : memref<1x80xi32, #tpu.memory_space<hbm>> -> memref<80xi32, #tpu.memory_space<hbm>>
      tpu.enqueue_dma source(%dma_start3A_234 : memref<80xi32, #tpu.memory_space<hbm>>) target(%arg8 : memref<80xi32, #tpu.memory_space<vmem>>) target_semaphore(%arg17 : memref<!tpu.dma_semaphore, #tpu.memory_space<semaphore_mem>>)
      %dma_start3A_235 = arith.constant 0 : i32
      %dma_start3A_236 = tpu.memref_slice %arg10[%mul3A_194, %dma_start3A_235] : memref<125x80xi32, #tpu.memory_space<vmem>> -> memref<1x80xi32, #tpu.memory_space<vmem>>
      %dma_start3A_237 = tpu.memref_squeeze %dma_start3A_236 : memref<1x80xi32, #tpu.memory_space<vmem>> -> memref<80xi32, #tpu.memory_space<vmem>>
      %dma_start3A_238 = arith.constant 0 : i32
      %dma_start3A_239 = arith.constant 0 : i32
      %dma_start3A_240 = tpu.memref_slice %arg14[%dma_start3A_238, %dma_start3A_239] : memref<10240x128xf32, #tpu.memory_space<vmem_shared>> -> memref<10240x128xf32, #tpu.memory_space<vmem_shared>>
      tpu.enqueue_indirect_dma source(%arg11 : memref<80x128xf32, #tpu.memory_space<vmem>>) target(%dma_start3A_240 : memref<10240x128xf32, #tpu.memory_space<vmem_shared>>) offsets(%dma_start3A_237 : memref<80xi32, #tpu.memory_space<vmem>>) semaphore(%arg19 : memref<!tpu.dma_semaphore, #tpu.memory_space<semaphore_mem>>) {add = true}
      %get3A_241 = arith.constant 0 : i32
      %get3A_242 = tpu.memref_slice %arg10[%mul3A_194, %get3A_241] : memref<125x80xi32, #tpu.memory_space<vmem>> -> memref<1x80xi32, #tpu.memory_space<vmem>>
      %get3A_243 = tpu.memref_squeeze %get3A_242 : memref<1x80xi32, #tpu.memory_space<vmem>> -> memref<80xi32, #tpu.memory_space<vmem>>
      %get3A_244 = arith.constant 0 : index
      %get3A_245 = tpu.vector_load %get3A_243[%get3A_244] {strides = array<i32>} : memref<80xi32, #tpu.memory_space<vmem>>, vector<16xi32>,
      %broadcast_in_dim3A_246 = arith.constant true
      %broadcast_in_dim3A_247 = vector.broadcast %broadcast_in_dim3A_246 : i1 to vector<16xi1>
      %unique3A_248, %unique3A_249 = tpu.scan_count mask(%broadcast_in_dim3A_247 : vector<16xi1>) value(%get3A_245 : vector<16xi32>) : vector<16xi1>, vector<16xi32>
      %add3A_250 = vector.broadcast %sub3A_12 : i32 to vector<16xi32>
      %add3A_251 = arith.addi %unique3A_249, %add3A_250 : vector<16xi32>
      %convert_element_type3A_252 = arith.sitofp %add3A_251 : vector<16xi32> to vector<16xf32>
      tpu.vector_store_idx %arg13[%get3A_245], %convert_element_type3A_252 masked %unique3A_248 {add = true} : memref<10240xf32, #tpu.memory_space<vmem>>[vector<16xi32>], vector<16xf32>, vector<16xi1>
      %get3A_253 = arith.constant 0 : i32
      %get3A_254 = tpu.memref_slice %arg10[%mul3A_194, %get3A_253] : memref<125x80xi32, #tpu.memory_space<vmem>> -> memref<1x80xi32, #tpu.memory_space<vmem>>
      %get3A_255 = tpu.memref_squeeze %get3A_254 : memref<1x80xi32, #tpu.memory_space<vmem>> -> memref<80xi32, #tpu.memory_space<vmem>>
      %get3A_256 = arith.constant 16 : index
      %get3A_257 = tpu.vector_load %get3A_255[%get3A_256] {strides = array<i32>} : memref<80xi32, #tpu.memory_space<vmem>>, vector<16xi32>,
      %broadcast_in_dim3A_258 = arith.constant true
      %broadcast_in_dim3A_259 = vector.broadcast %broadcast_in_dim3A_258 : i1 to vector<16xi1>
      %unique3A_260, %unique3A_261 = tpu.scan_count mask(%broadcast_in_dim3A_259 : vector<16xi1>) value(%get3A_257 : vector<16xi32>) : vector<16xi1>, vector<16xi32>
      %add3A_262 = vector.broadcast %sub3A_12 : i32 to vector<16xi32>
      %add3A_263 = arith.addi %unique3A_261, %add3A_262 : vector<16xi32>
      %convert_element_type3A_264 = arith.sitofp %add3A_263 : vector<16xi32> to vector<16xf32>
      tpu.vector_store_idx %arg13[%get3A_257], %convert_element_type3A_264 masked %unique3A_260 {add = true} : memref<10240xf32, #tpu.memory_space<vmem>>[vector<16xi32>], vector<16xf32>, vector<16xi1>
      %get3A_265 = arith.constant 0 : i32
      %get3A_266 = tpu.memref_slice %arg10[%mul3A_194, %get3A_265] : memref<125x80xi32, #tpu.memory_space<vmem>> -> memref<1x80xi32, #tpu.memory_space<vmem>>
      %get3A_267 = tpu.memref_squeeze %get3A_266 : memref<1x80xi32, #tpu.memory_space<vmem>> -> memref<80xi32, #tpu.memory_space<vmem>>
      %get3A_268 = arith.constant 32 : index
      %get3A_269 = tpu.vector_load %get3A_267[%get3A_268] {strides = array<i32>} : memref<80xi32, #tpu.memory_space<vmem>>, vector<16xi32>,
      %broadcast_in_dim3A_270 = arith.constant true
      %broadcast_in_dim3A_271 = vector.broadcast %broadcast_in_dim3A_270 : i1 to vector<16xi1>
      %unique3A_272, %unique3A_273 = tpu.scan_count mask(%broadcast_in_dim3A_271 : vector<16xi1>) value(%get3A_269 : vector<16xi32>) : vector<16xi1>, vector<16xi32>
      %add3A_274 = vector.broadcast %sub3A_12 : i32 to vector<16xi32>
      %add3A_275 = arith.addi %unique3A_273, %add3A_274 : vector<16xi32>
      %convert_element_type3A_276 = arith.sitofp %add3A_275 : vector<16xi32> to vector<16xf32>
      tpu.vector_store_idx %arg13[%get3A_269], %convert_element_type3A_276 masked %unique3A_272 {add = true} : memref<10240xf32, #tpu.memory_space<vmem>>[vector<16xi32>], vector<16xf32>, vector<16xi1>
      %get3A_277 = arith.constant 0 : i32
      %get3A_278 = tpu.memref_slice %arg10[%mul3A_194, %get3A_277] : memref<125x80xi32, #tpu.memory_space<vmem>> -> memref<1x80xi32, #tpu.memory_space<vmem>>
      %get3A_279 = tpu.memref_squeeze %get3A_278 : memref<1x80xi32, #tpu.memory_space<vmem>> -> memref<80xi32, #tpu.memory_space<vmem>>
      %get3A_280 = arith.constant 48 : index
      %get3A_281 = tpu.vector_load %get3A_279[%get3A_280] {strides = array<i32>} : memref<80xi32, #tpu.memory_space<vmem>>, vector<16xi32>,
      %broadcast_in_dim3A_282 = arith.constant true
      %broadcast_in_dim3A_283 = vector.broadcast %broadcast_in_dim3A_282 : i1 to vector<16xi1>
      %unique3A_284, %unique3A_285 = tpu.scan_count mask(%broadcast_in_dim3A_283 : vector<16xi1>) value(%get3A_281 : vector<16xi32>) : vector<16xi1>, vector<16xi32>
      %add3A_286 = vector.broadcast %sub3A_12 : i32 to vector<16xi32>
      %add3A_287 = arith.addi %unique3A_285, %add3A_286 : vector<16xi32>
      %convert_element_type3A_288 = arith.sitofp %add3A_287 : vector<16xi32> to vector<16xf32>
      tpu.vector_store_idx %arg13[%get3A_281], %convert_element_type3A_288 masked %unique3A_284 {add = true} : memref<10240xf32, #tpu.memory_space<vmem>>[vector<16xi32>], vector<16xf32>, vector<16xi1>
      %get3A_289 = arith.constant 0 : i32
      %get3A_290 = tpu.memref_slice %arg10[%mul3A_194, %get3A_289] : memref<125x80xi32, #tpu.memory_space<vmem>> -> memref<1x80xi32, #tpu.memory_space<vmem>>
      %get3A_291 = tpu.memref_squeeze %get3A_290 : memref<1x80xi32, #tpu.memory_space<vmem>> -> memref<80xi32, #tpu.memory_space<vmem>>
      %get3A_292 = arith.constant 64 : index
      %get3A_293 = tpu.vector_load %get3A_291[%get3A_292] {strides = array<i32>} : memref<80xi32, #tpu.memory_space<vmem>>, vector<16xi32>,
      %broadcast_in_dim3A_294 = arith.constant true
      %broadcast_in_dim3A_295 = vector.broadcast %broadcast_in_dim3A_294 : i1 to vector<16xi1>
      %unique3A_296, %unique3A_297 = tpu.scan_count mask(%broadcast_in_dim3A_295 : vector<16xi1>) value(%get3A_293 : vector<16xi32>) : vector<16xi1>, vector<16xi32>
      %add3A_298 = vector.broadcast %sub3A_12 : i32 to vector<16xi32>
      %add3A_299 = arith.addi %unique3A_297, %add3A_298 : vector<16xi32>
      %convert_element_type3A_300 = arith.sitofp %add3A_299 : vector<16xi32> to vector<16xf32>
      tpu.vector_store_idx %arg13[%get3A_293], %convert_element_type3A_300 masked %unique3A_296 {add = true} : memref<10240xf32, #tpu.memory_space<vmem>>[vector<16xi32>], vector<16xf32>, vector<16xi1>
      %dma_wait3A_301 = arith.constant 0 : i32
      %dma_wait3A_302 = arith.constant 0 : i32
      %dma_wait3A_303 = arith.constant 0 : i32
      %dma_wait3A_304 = tpu.memref_slice %arg3[%add3A, %dma_wait3A_302, %dma_wait3A_303] : memref<32x125x80xi32, #tpu.memory_space<hbm>> -> memref<1x125x80xi32, #tpu.memory_space<hbm>>
      %dma_wait3A_305 = tpu.memref_squeeze %dma_wait3A_304 : memref<1x125x80xi32, #tpu.memory_space<hbm>> -> memref<125x80xi32, #tpu.memory_space<hbm>>
      %dma_wait3A_306 = arith.constant 0 : i32
      %dma_wait3A_307 = tpu.memref_slice %dma_wait3A_305[%dma_wait3A_301, %dma_wait3A_306] : memref<125x80xi32, #tpu.memory_space<hbm>> -> memref<1x80xi32, #tpu.memory_space<hbm>>
      %dma_wait3A_308 = tpu.memref_squeeze %dma_wait3A_307 : memref<1x80xi32, #tpu.memory_space<hbm>> -> memref<80xi32, #tpu.memory_space<hbm>>
      %dma_wait3A_309 = arith.constant 0 : i32
      %dma_wait3A_310 = arith.constant 0 : i32
      %dma_wait3A_311 = tpu.memref_slice %arg3[%add3A, %dma_wait3A_309, %dma_wait3A_310] : memref<32x125x80xi32, #tpu.memory_space<hbm>> -> memref<1x125x80xi32, #tpu.memory_space<hbm>>
      %dma_wait3A_312 = tpu.memref_squeeze %dma_wait3A_311 : memref<1x125x80xi32, #tpu.memory_space<hbm>> -> memref<125x80xi32, #tpu.memory_space<hbm>>
      %dma_wait3A_313 = arith.constant 0 : i32
      %dma_wait3A_314 = tpu.memref_slice %dma_wait3A_312[%dma_wait3A_301, %dma_wait3A_313] : memref<125x80xi32, #tpu.memory_space<hbm>> -> memref<1x80xi32, #tpu.memory_space<hbm>>
      %dma_wait3A_315 = tpu.memref_squeeze %dma_wait3A_314 : memref<1x80xi32, #tpu.memory_space<hbm>> -> memref<80xi32, #tpu.memory_space<hbm>>
      tpu.wait_dma2 semaphore(%arg17 : memref<!tpu.dma_semaphore, #tpu.memory_space<semaphore_mem>>) src(%dma_wait3A_315 : memref<80xi32, #tpu.memory_space<hbm>>) dst(%arg8 : memref<80xi32, #tpu.memory_space<vmem>>)
      %dma_wait3A_316 = arith.constant 0 : i32
      %dma_wait3A_317 = arith.constant 0 : i32
      %dma_wait3A_318 = tpu.memref_slice %arg5[%dma_wait3A_316, %dma_wait3A_317] : memref<10240x128xf32, #tpu.memory_space<hbm>> -> memref<80x128xf32, #tpu.memory_space<hbm>>
      %dma_wait3A_319 = arith.constant 0 : i32
      %dma_wait3A_320 = arith.constant 0 : i32
      %dma_wait3A_321 = tpu.memref_slice %arg5[%dma_wait3A_319, %dma_wait3A_320] : memref<10240x128xf32, #tpu.memory_space<hbm>> -> memref<80x128xf32, #tpu.memory_space<hbm>>
      tpu.wait_dma2 semaphore(%arg19 : memref<!tpu.dma_semaphore, #tpu.memory_space<semaphore_mem>>) src(%dma_wait3A_321 : memref<80x128xf32, #tpu.memory_space<hbm>>) dst(%arg11 : memref<80x128xf32, #tpu.memory_space<vmem>>)
      %dma_start3A_322 = arith.constant 0 : i32
      %dma_start3A_323 = arith.constant 0 : i32
      %dma_start3A_324 = tpu.memref_slice %arg11[%dma_start3A_322, %dma_start3A_323] : memref<80x128xf32, #tpu.memory_space<vmem>> -> memref<40x128xf32, #tpu.memory_space<vmem>>
      %dma_start3A_325 = arith.constant 0 : i32
      %dma_start3A_326 = tpu.memref_slice %arg8[%dma_start3A_325] : memref<80xi32, #tpu.memory_space<vmem>> -> memref<40xi32, #tpu.memory_space<vmem>>
      %dma_start3A_327 = arith.constant 0 : i32
      %dma_start3A_328 = arith.constant 0 : i32
      %dma_start3A_329 = tpu.memref_slice %arg2[%dma_start3A_327, %dma_start3A_328] : memref<10240x128xf32, #tpu.memory_space<hbm>> -> memref<10240x128xf32, #tpu.memory_space<hbm>>
      tpu.enqueue_indirect_dma source(%dma_start3A_329 : memref<10240x128xf32, #tpu.memory_space<hbm>>) target(%dma_start3A_324 : memref<40x128xf32, #tpu.memory_space<vmem>>) offsets(%dma_start3A_326 : memref<40xi32, #tpu.memory_space<vmem>>) semaphore(%arg15 : memref<!tpu.dma_semaphore, #tpu.memory_space<semaphore_mem>>)
      %dma_start3A_330 = arith.constant 40 : i32
      %dma_start3A_331 = arith.constant 0 : i32
      %dma_start3A_332 = tpu.memref_slice %arg11[%dma_start3A_330, %dma_start3A_331] : memref<80x128xf32, #tpu.memory_space<vmem>> -> memref<40x128xf32, #tpu.memory_space<vmem>>
      %dma_start3A_333 = arith.constant 40 : i32
      %dma_start3A_334 = tpu.memref_slice %arg8[%dma_start3A_333] : memref<80xi32, #tpu.memory_space<vmem>> -> memref<40xi32, #tpu.memory_space<vmem>>
      %dma_start3A_335 = arith.constant 0 : i32
      %dma_start3A_336 = arith.constant 0 : i32
      %dma_start3A_337 = tpu.memref_slice %arg2[%dma_start3A_335, %dma_start3A_336] : memref<10240x128xf32, #tpu.memory_space<hbm>> -> memref<10240x128xf32, #tpu.memory_space<hbm>>
      tpu.enqueue_indirect_dma source(%dma_start3A_337 : memref<10240x128xf32, #tpu.memory_space<hbm>>) target(%dma_start3A_332 : memref<40x128xf32, #tpu.memory_space<vmem>>) offsets(%dma_start3A_334 : memref<40xi32, #tpu.memory_space<vmem>>) semaphore(%arg15 : memref<!tpu.dma_semaphore, #tpu.memory_space<semaphore_mem>>)
      %dma_wait3A_338 = arith.constant 0 : i32
      %dma_wait3A_339 = arith.constant 0 : i32
      %dma_wait3A_340 = tpu.memref_slice %arg5[%dma_wait3A_338, %dma_wait3A_339] : memref<10240x128xf32, #tpu.memory_space<hbm>> -> memref<80x128xf32, #tpu.memory_space<hbm>>
      %dma_wait3A_341 = arith.constant 0 : i32
      %dma_wait3A_342 = arith.constant 0 : i32
      %dma_wait3A_343 = tpu.memref_slice %arg5[%dma_wait3A_341, %dma_wait3A_342] : memref<10240x128xf32, #tpu.memory_space<hbm>> -> memref<80x128xf32, #tpu.memory_space<hbm>>
      tpu.wait_dma2 semaphore(%arg16 : memref<!tpu.dma_semaphore, #tpu.memory_space<semaphore_mem>>) src(%dma_wait3A_343 : memref<80x128xf32, #tpu.memory_space<hbm>>) dst(%arg12 : memref<80x128xf32, #tpu.memory_space<vmem>>)
      %add3A_344 = arith.constant 3 : i32
      %add3A_345 = arith.addi %mul3A_194, %add3A_344 : i32
      %min3A_346 = arith.constant 124 : i32
      %min3A_347 = arith.minsi %add3A_345, %min3A_346 : i32
      %dma_start3A_348 = arith.constant 0 : i32
      %dma_start3A_349 = arith.constant 0 : i32
      %dma_start3A_350 = tpu.memref_slice %arg3[%add3A, %dma_start3A_348, %dma_start3A_349] : memref<32x125x80xi32, #tpu.memory_space<hbm>> -> memref<1x125x80xi32, #tpu.memory_space<hbm>>
      %dma_start3A_351 = tpu.memref_squeeze %dma_start3A_350 : memref<1x125x80xi32, #tpu.memory_space<hbm>> -> memref<125x80xi32, #tpu.memory_space<hbm>>
      %dma_start3A_352 = arith.constant 0 : i32
      %dma_start3A_353 = tpu.memref_slice %dma_start3A_351[%min3A_347, %dma_start3A_352] : memref<125x80xi32, #tpu.memory_space<hbm>> -> memref<1x80xi32, #tpu.memory_space<hbm>>
      %dma_start3A_354 = tpu.memref_squeeze %dma_start3A_353 : memref<1x80xi32, #tpu.memory_space<hbm>> -> memref<80xi32, #tpu.memory_space<hbm>>
      %dma_start3A_355 = arith.constant 0 : i32
      %dma_start3A_356 = arith.constant 0 : i32
      %dma_start3A_357 = tpu.memref_slice %arg3[%add3A, %dma_start3A_355, %dma_start3A_356] : memref<32x125x80xi32, #tpu.memory_space<hbm>> -> memref<1x125x80xi32, #tpu.memory_space<hbm>>
      %dma_start3A_358 = tpu.memref_squeeze %dma_start3A_357 : memref<1x125x80xi32, #tpu.memory_space<hbm>> -> memref<125x80xi32, #tpu.memory_space<hbm>>
      %dma_start3A_359 = arith.constant 0 : i32
      %dma_start3A_360 = tpu.memref_slice %dma_start3A_358[%min3A_347, %dma_start3A_359] : memref<125x80xi32, #tpu.memory_space<hbm>> -> memref<1x80xi32, #tpu.memory_space<hbm>>
      %dma_start3A_361 = tpu.memref_squeeze %dma_start3A_360 : memref<1x80xi32, #tpu.memory_space<hbm>> -> memref<80xi32, #tpu.memory_space<hbm>>
      tpu.enqueue_dma source(%dma_start3A_361 : memref<80xi32, #tpu.memory_space<hbm>>) target(%arg9 : memref<80xi32, #tpu.memory_space<vmem>>) target_semaphore(%arg18 : memref<!tpu.dma_semaphore, #tpu.memory_space<semaphore_mem>>)
      %add3A_362 = arith.constant 1 : i32
      %add3A_363 = arith.addi %mul3A_194, %add3A_362 : i32
      %dma_start3A_364 = arith.constant 0 : i32
      %dma_start3A_365 = tpu.memref_slice %arg10[%add3A_363, %dma_start3A_364] : memref<125x80xi32, #tpu.memory_space<vmem>> -> memref<1x80xi32, #tpu.memory_space<vmem>>
      %dma_start3A_366 = tpu.memref_squeeze %dma_start3A_365 : memref<1x80xi32, #tpu.memory_space<vmem>> -> memref<80xi32, #tpu.memory_space<vmem>>
      %dma_start3A_367 = arith.constant 0 : i32
      %dma_start3A_368 = arith.constant 0 : i32
      %dma_start3A_369 = tpu.memref_slice %arg14[%dma_start3A_367, %dma_start3A_368] : memref<10240x128xf32, #tpu.memory_space<vmem_shared>> -> memref<10240x128xf32, #tpu.memory_space<vmem_shared>>
      tpu.enqueue_indirect_dma source(%arg12 : memref<80x128xf32, #tpu.memory_space<vmem>>) target(%dma_start3A_369 : memref<10240x128xf32, #tpu.memory_space<vmem_shared>>) offsets(%dma_start3A_366 : memref<80xi32, #tpu.memory_space<vmem>>) semaphore(%arg20 : memref<!tpu.dma_semaphore, #tpu.memory_space<semaphore_mem>>) {add = true}
      %add3A_370 = arith.constant 1 : i32
      %add3A_371 = arith.addi %mul3A_194, %add3A_370 : i32
      %get3A_372 = arith.constant 0 : i32
      %get3A_373 = tpu.memref_slice %arg10[%add3A_371, %get3A_372] : memref<125x80xi32, #tpu.memory_space<vmem>> -> memref<1x80xi32, #tpu.memory_space<vmem>>
      %get3A_374 = tpu.memref_squeeze %get3A_373 : memref<1x80xi32, #tpu.memory_space<vmem>> -> memref<80xi32, #tpu.memory_space<vmem>>
      %get3A_375 = arith.constant 0 : index
      %get3A_376 = tpu.vector_load %get3A_374[%get3A_375] {strides = array<i32>} : memref<80xi32, #tpu.memory_space<vmem>>, vector<16xi32>,
      %broadcast_in_dim3A_377 = arith.constant true
      %broadcast_in_dim3A_378 = vector.broadcast %broadcast_in_dim3A_377 : i1 to vector<16xi1>
      %unique3A_379, %unique3A_380 = tpu.scan_count mask(%broadcast_in_dim3A_378 : vector<16xi1>) value(%get3A_376 : vector<16xi32>) : vector<16xi1>, vector<16xi32>
      %add3A_381 = vector.broadcast %sub3A_12 : i32 to vector<16xi32>
      %add3A_382 = arith.addi %unique3A_380, %add3A_381 : vector<16xi32>
      %convert_element_type3A_383 = arith.sitofp %add3A_382 : vector<16xi32> to vector<16xf32>
      tpu.vector_store_idx %arg13[%get3A_376], %convert_element_type3A_383 masked %unique3A_379 {add = true} : memref<10240xf32, #tpu.memory_space<vmem>>[vector<16xi32>], vector<16xf32>, vector<16xi1>
      %get3A_384 = arith.constant 0 : i32
      %get3A_385 = tpu.memref_slice %arg10[%add3A_371, %get3A_384] : memref<125x80xi32, #tpu.memory_space<vmem>> -> memref<1x80xi32, #tpu.memory_space<vmem>>
      %get3A_386 = tpu.memref_squeeze %get3A_385 : memref<1x80xi32, #tpu.memory_space<vmem>> -> memref<80xi32, #tpu.memory_space<vmem>>
      %get3A_387 = arith.constant 16 : index
      %get3A_388 = tpu.vector_load %get3A_386[%get3A_387] {strides = array<i32>} : memref<80xi32, #tpu.memory_space<vmem>>, vector<16xi32>,
      %broadcast_in_dim3A_389 = arith.constant true
      %broadcast_in_dim3A_390 = vector.broadcast %broadcast_in_dim3A_389 : i1 to vector<16xi1>
      %unique3A_391, %unique3A_392 = tpu.scan_count mask(%broadcast_in_dim3A_390 : vector<16xi1>) value(%get3A_388 : vector<16xi32>) : vector<16xi1>, vector<16xi32>
      %add3A_393 = vector.broadcast %sub3A_12 : i32 to vector<16xi32>
      %add3A_394 = arith.addi %unique3A_392, %add3A_393 : vector<16xi32>
      %convert_element_type3A_395 = arith.sitofp %add3A_394 : vector<16xi32> to vector<16xf32>
      tpu.vector_store_idx %arg13[%get3A_388], %convert_element_type3A_395 masked %unique3A_391 {add = true} : memref<10240xf32, #tpu.memory_space<vmem>>[vector<16xi32>], vector<16xf32>, vector<16xi1>
      %get3A_396 = arith.constant 0 : i32
      %get3A_397 = tpu.memref_slice %arg10[%add3A_371, %get3A_396] : memref<125x80xi32, #tpu.memory_space<vmem>> -> memref<1x80xi32, #tpu.memory_space<vmem>>
      %get3A_398 = tpu.memref_squeeze %get3A_397 : memref<1x80xi32, #tpu.memory_space<vmem>> -> memref<80xi32, #tpu.memory_space<vmem>>
      %get3A_399 = arith.constant 32 : index
      %get3A_400 = tpu.vector_load %get3A_398[%get3A_399] {strides = array<i32>} : memref<80xi32, #tpu.memory_space<vmem>>, vector<16xi32>,
      %broadcast_in_dim3A_401 = arith.constant true
      %broadcast_in_dim3A_402 = vector.broadcast %broadcast_in_dim3A_401 : i1 to vector<16xi1>
      %unique3A_403, %unique3A_404 = tpu.scan_count mask(%broadcast_in_dim3A_402 : vector<16xi1>) value(%get3A_400 : vector<16xi32>) : vector<16xi1>, vector<16xi32>
      %add3A_405 = vector.broadcast %sub3A_12 : i32 to vector<16xi32>
      %add3A_406 = arith.addi %unique3A_404, %add3A_405 : vector<16xi32>
      %convert_element_type3A_407 = arith.sitofp %add3A_406 : vector<16xi32> to vector<16xf32>
      tpu.vector_store_idx %arg13[%get3A_400], %convert_element_type3A_407 masked %unique3A_403 {add = true} : memref<10240xf32, #tpu.memory_space<vmem>>[vector<16xi32>], vector<16xf32>, vector<16xi1>
      %get3A_408 = arith.constant 0 : i32
      %get3A_409 = tpu.memref_slice %arg10[%add3A_371, %get3A_408] : memref<125x80xi32, #tpu.memory_space<vmem>> -> memref<1x80xi32, #tpu.memory_space<vmem>>
      %get3A_410 = tpu.memref_squeeze %get3A_409 : memref<1x80xi32, #tpu.memory_space<vmem>> -> memref<80xi32, #tpu.memory_space<vmem>>
      %get3A_411 = arith.constant 48 : index
      %get3A_412 = tpu.vector_load %get3A_410[%get3A_411] {strides = array<i32>} : memref<80xi32, #tpu.memory_space<vmem>>, vector<16xi32>,
      %broadcast_in_dim3A_413 = arith.constant true
      %broadcast_in_dim3A_414 = vector.broadcast %broadcast_in_dim3A_413 : i1 to vector<16xi1>
      %unique3A_415, %unique3A_416 = tpu.scan_count mask(%broadcast_in_dim3A_414 : vector<16xi1>) value(%get3A_412 : vector<16xi32>) : vector<16xi1>, vector<16xi32>
      %add3A_417 = vector.broadcast %sub3A_12 : i32 to vector<16xi32>
      %add3A_418 = arith.addi %unique3A_416, %add3A_417 : vector<16xi32>
      %convert_element_type3A_419 = arith.sitofp %add3A_418 : vector<16xi32> to vector<16xf32>
      tpu.vector_store_idx %arg13[%get3A_412], %convert_element_type3A_419 masked %unique3A_415 {add = true} : memref<10240xf32, #tpu.memory_space<vmem>>[vector<16xi32>], vector<16xf32>, vector<16xi1>
      %get3A_420 = arith.constant 0 : i32
      %get3A_421 = tpu.memref_slice %arg10[%add3A_371, %get3A_420] : memref<125x80xi32, #tpu.memory_space<vmem>> -> memref<1x80xi32, #tpu.memory_space<vmem>>
      %get3A_422 = tpu.memref_squeeze %get3A_421 : memref<1x80xi32, #tpu.memory_space<vmem>> -> memref<80xi32, #tpu.memory_space<vmem>>
      %get3A_423 = arith.constant 64 : index
      %get3A_424 = tpu.vector_load %get3A_422[%get3A_423] {strides = array<i32>} : memref<80xi32, #tpu.memory_space<vmem>>, vector<16xi32>,
      %broadcast_in_dim3A_425 = arith.constant true
      %broadcast_in_dim3A_426 = vector.broadcast %broadcast_in_dim3A_425 : i1 to vector<16xi1>
      %unique3A_427, %unique3A_428 = tpu.scan_count mask(%broadcast_in_dim3A_426 : vector<16xi1>) value(%get3A_424 : vector<16xi32>) : vector<16xi1>, vector<16xi32>
      %add3A_429 = vector.broadcast %sub3A_12 : i32 to vector<16xi32>
      %add3A_430 = arith.addi %unique3A_428, %add3A_429 : vector<16xi32>
      %convert_element_type3A_431 = arith.sitofp %add3A_430 : vector<16xi32> to vector<16xf32>
      tpu.vector_store_idx %arg13[%get3A_424], %convert_element_type3A_431 masked %unique3A_427 {add = true} : memref<10240xf32, #tpu.memory_space<vmem>>[vector<16xi32>], vector<16xf32>, vector<16xi1>
      %dma_wait3A_432 = arith.constant 0 : i32
      %dma_wait3A_433 = arith.constant 0 : i32
      %dma_wait3A_434 = arith.constant 0 : i32
      %dma_wait3A_435 = tpu.memref_slice %arg3[%add3A, %dma_wait3A_433, %dma_wait3A_434] : memref<32x125x80xi32, #tpu.memory_space<hbm>> -> memref<1x125x80xi32, #tpu.memory_space<hbm>>
      %dma_wait3A_436 = tpu.memref_squeeze %dma_wait3A_435 : memref<1x125x80xi32, #tpu.memory_space<hbm>> -> memref<125x80xi32, #tpu.memory_space<hbm>>
      %dma_wait3A_437 = arith.constant 0 : i32
      %dma_wait3A_438 = tpu.memref_slice %dma_wait3A_436[%dma_wait3A_432, %dma_wait3A_437] : memref<125x80xi32, #tpu.memory_space<hbm>> -> memref<1x80xi32, #tpu.memory_space<hbm>>
      %dma_wait3A_439 = tpu.memref_squeeze %dma_wait3A_438 : memref<1x80xi32, #tpu.memory_space<hbm>> -> memref<80xi32, #tpu.memory_space<hbm>>
      %dma_wait3A_440 = arith.constant 0 : i32
      %dma_wait3A_441 = arith.constant 0 : i32
      %dma_wait3A_442 = tpu.memref_slice %arg3[%add3A, %dma_wait3A_440, %dma_wait3A_441] : memref<32x125x80xi32, #tpu.memory_space<hbm>> -> memref<1x125x80xi32, #tpu.memory_space<hbm>>
      %dma_wait3A_443 = tpu.memref_squeeze %dma_wait3A_442 : memref<1x125x80xi32, #tpu.memory_space<hbm>> -> memref<125x80xi32, #tpu.memory_space<hbm>>
      %dma_wait3A_444 = arith.constant 0 : i32
      %dma_wait3A_445 = tpu.memref_slice %dma_wait3A_443[%dma_wait3A_432, %dma_wait3A_444] : memref<125x80xi32, #tpu.memory_space<hbm>> -> memref<1x80xi32, #tpu.memory_space<hbm>>
      %dma_wait3A_446 = tpu.memref_squeeze %dma_wait3A_445 : memref<1x80xi32, #tpu.memory_space<hbm>> -> memref<80xi32, #tpu.memory_space<hbm>>
      tpu.wait_dma2 semaphore(%arg18 : memref<!tpu.dma_semaphore, #tpu.memory_space<semaphore_mem>>) src(%dma_wait3A_446 : memref<80xi32, #tpu.memory_space<hbm>>) dst(%arg9 : memref<80xi32, #tpu.memory_space<vmem>>)
      %dma_wait3A_447 = arith.constant 0 : i32
      %dma_wait3A_448 = arith.constant 0 : i32
      %dma_wait3A_449 = tpu.memref_slice %arg5[%dma_wait3A_447, %dma_wait3A_448] : memref<10240x128xf32, #tpu.memory_space<hbm>> -> memref<80x128xf32, #tpu.memory_space<hbm>>
      %dma_wait3A_450 = arith.constant 0 : i32
      %dma_wait3A_451 = arith.constant 0 : i32
      %dma_wait3A_452 = tpu.memref_slice %arg5[%dma_wait3A_450, %dma_wait3A_451] : memref<10240x128xf32, #tpu.memory_space<hbm>> -> memref<80x128xf32, #tpu.memory_space<hbm>>
      tpu.wait_dma2 semaphore(%arg20 : memref<!tpu.dma_semaphore, #tpu.memory_space<semaphore_mem>>) src(%dma_wait3A_452 : memref<80x128xf32, #tpu.memory_space<hbm>>) dst(%arg12 : memref<80x128xf32, #tpu.memory_space<vmem>>)
    }
    %scan3A_104 = arith.constant 62 : i32
    %dma_wait3A_105 = arith.constant 0 : i32
    %dma_wait3A_106 = arith.constant 0 : i32
    %dma_wait3A_107 = tpu.memref_slice %arg5[%dma_wait3A_105, %dma_wait3A_106] : memref<10240x128xf32, #tpu.memory_space<hbm>> -> memref<80x128xf32, #tpu.memory_space<hbm>>
    %dma_wait3A_108 = arith.constant 0 : i32
    %dma_wait3A_109 = arith.constant 0 : i32
    %dma_wait3A_110 = tpu.memref_slice %arg5[%dma_wait3A_108, %dma_wait3A_109] : memref<10240x128xf32, #tpu.memory_space<hbm>> -> memref<80x128xf32, #tpu.memory_space<hbm>>
    tpu.wait_dma2 semaphore(%arg15 : memref<!tpu.dma_semaphore, #tpu.memory_space<semaphore_mem>>) src(%dma_wait3A_110 : memref<80x128xf32, #tpu.memory_space<hbm>>) dst(%arg11 : memref<80x128xf32, #tpu.memory_space<vmem>>)
    %dma_start3A_111 = arith.constant 124 : i32
    %dma_start3A_112 = arith.constant 0 : i32
    %dma_start3A_113 = tpu.memref_slice %arg10[%dma_start3A_111, %dma_start3A_112] : memref<125x80xi32, #tpu.memory_space<vmem>> -> memref<1x80xi32, #tpu.memory_space<vmem>>
    %dma_start3A_114 = tpu.memref_squeeze %dma_start3A_113 : memref<1x80xi32, #tpu.memory_space<vmem>> -> memref<80xi32, #tpu.memory_space<vmem>>
    %dma_start3A_115 = arith.constant 0 : i32
    %dma_start3A_116 = arith.constant 0 : i32
    %dma_start3A_117 = tpu.memref_slice %arg14[%dma_start3A_115, %dma_start3A_116] : memref<10240x128xf32, #tpu.memory_space<vmem_shared>> -> memref<10240x128xf32, #tpu.memory_space<vmem_shared>>
    tpu.enqueue_indirect_dma source(%arg11 : memref<80x128xf32, #tpu.memory_space<vmem>>) target(%dma_start3A_117 : memref<10240x128xf32, #tpu.memory_space<vmem_shared>>) offsets(%dma_start3A_114 : memref<80xi32, #tpu.memory_space<vmem>>) semaphore(%arg19 : memref<!tpu.dma_semaphore, #tpu.memory_space<semaphore_mem>>) {add = true}
    %get3A = arith.constant 124 : i32
    %get3A_118 = arith.constant 0 : i32
    %get3A_119 = tpu.memref_slice %arg10[%get3A, %get3A_118] : memref<125x80xi32, #tpu.memory_space<vmem>> -> memref<1x80xi32, #tpu.memory_space<vmem>>
    %get3A_120 = tpu.memref_squeeze %get3A_119 : memref<1x80xi32, #tpu.memory_space<vmem>> -> memref<80xi32, #tpu.memory_space<vmem>>
    %get3A_121 = arith.constant 0 : index
    %get3A_122 = tpu.vector_load %get3A_120[%get3A_121] {strides = array<i32>} : memref<80xi32, #tpu.memory_space<vmem>>, vector<16xi32>,
    %broadcast_in_dim3A_123 = arith.constant true
    %broadcast_in_dim3A_124 = vector.broadcast %broadcast_in_dim3A_123 : i1 to vector<16xi1>
    %unique3A_125, %unique3A_126 = tpu.scan_count mask(%broadcast_in_dim3A_124 : vector<16xi1>) value(%get3A_122 : vector<16xi32>) : vector<16xi1>, vector<16xi32>
    %add3A_127 = vector.broadcast %sub3A_12 : i32 to vector<16xi32>
    %add3A_128 = arith.addi %unique3A_126, %add3A_127 : vector<16xi32>
    %convert_element_type3A = arith.sitofp %add3A_128 : vector<16xi32> to vector<16xf32>
    tpu.vector_store_idx %arg13[%get3A_122], %convert_element_type3A masked %unique3A_125 {add = true} : memref<10240xf32, #tpu.memory_space<vmem>>[vector<16xi32>], vector<16xf32>, vector<16xi1>
    %get3A_129 = arith.constant 124 : i32
    %get3A_130 = arith.constant 0 : i32
    %get3A_131 = tpu.memref_slice %arg10[%get3A_129, %get3A_130] : memref<125x80xi32, #tpu.memory_space<vmem>> -> memref<1x80xi32, #tpu.memory_space<vmem>>
    %get3A_132 = tpu.memref_squeeze %get3A_131 : memref<1x80xi32, #tpu.memory_space<vmem>> -> memref<80xi32, #tpu.memory_space<vmem>>
    %get3A_133 = arith.constant 16 : index
    %get3A_134 = tpu.vector_load %get3A_132[%get3A_133] {strides = array<i32>} : memref<80xi32, #tpu.memory_space<vmem>>, vector<16xi32>,
    %broadcast_in_dim3A_135 = arith.constant true
    %broadcast_in_dim3A_136 = vector.broadcast %broadcast_in_dim3A_135 : i1 to vector<16xi1>
    %unique3A_137, %unique3A_138 = tpu.scan_count mask(%broadcast_in_dim3A_136 : vector<16xi1>) value(%get3A_134 : vector<16xi32>) : vector<16xi1>, vector<16xi32>
    %add3A_139 = vector.broadcast %sub3A_12 : i32 to vector<16xi32>
    %add3A_140 = arith.addi %unique3A_138, %add3A_139 : vector<16xi32>
    %convert_element_type3A_141 = arith.sitofp %add3A_140 : vector<16xi32> to vector<16xf32>
    tpu.vector_store_idx %arg13[%get3A_134], %convert_element_type3A_141 masked %unique3A_137 {add = true} : memref<10240xf32, #tpu.memory_space<vmem>>[vector<16xi32>], vector<16xf32>, vector<16xi1>
    %get3A_142 = arith.constant 124 : i32
    %get3A_143 = arith.constant 0 : i32
    %get3A_144 = tpu.memref_slice %arg10[%get3A_142, %get3A_143] : memref<125x80xi32, #tpu.memory_space<vmem>> -> memref<1x80xi32, #tpu.memory_space<vmem>>
    %get3A_145 = tpu.memref_squeeze %get3A_144 : memref<1x80xi32, #tpu.memory_space<vmem>> -> memref<80xi32, #tpu.memory_space<vmem>>
    %get3A_146 = arith.constant 32 : index
    %get3A_147 = tpu.vector_load %get3A_145[%get3A_146] {strides = array<i32>} : memref<80xi32, #tpu.memory_space<vmem>>, vector<16xi32>,
    %broadcast_in_dim3A_148 = arith.constant true
    %broadcast_in_dim3A_149 = vector.broadcast %broadcast_in_dim3A_148 : i1 to vector<16xi1>
    %unique3A_150, %unique3A_151 = tpu.scan_count mask(%broadcast_in_dim3A_149 : vector<16xi1>) value(%get3A_147 : vector<16xi32>) : vector<16xi1>, vector<16xi32>
    %add3A_152 = vector.broadcast %sub3A_12 : i32 to vector<16xi32>
    %add3A_153 = arith.addi %unique3A_151, %add3A_152 : vector<16xi32>
    %convert_element_type3A_154 = arith.sitofp %add3A_153 : vector<16xi32> to vector<16xf32>
    tpu.vector_store_idx %arg13[%get3A_147], %convert_element_type3A_154 masked %unique3A_150 {add = true} : memref<10240xf32, #tpu.memory_space<vmem>>[vector<16xi32>], vector<16xf32>, vector<16xi1>
    %get3A_155 = arith.constant 124 : i32
    %get3A_156 = arith.constant 0 : i32
    %get3A_157 = tpu.memref_slice %arg10[%get3A_155, %get3A_156] : memref<125x80xi32, #tpu.memory_space<vmem>> -> memref<1x80xi32, #tpu.memory_space<vmem>>
    %get3A_158 = tpu.memref_squeeze %get3A_157 : memref<1x80xi32, #tpu.memory_space<vmem>> -> memref<80xi32, #tpu.memory_space<vmem>>
    %get3A_159 = arith.constant 48 : index
    %get3A_160 = tpu.vector_load %get3A_158[%get3A_159] {strides = array<i32>} : memref<80xi32, #tpu.memory_space<vmem>>, vector<16xi32>,
    %broadcast_in_dim3A_161 = arith.constant true
    %broadcast_in_dim3A_162 = vector.broadcast %broadcast_in_dim3A_161 : i1 to vector<16xi1>
    %unique3A_163, %unique3A_164 = tpu.scan_count mask(%broadcast_in_dim3A_162 : vector<16xi1>) value(%get3A_160 : vector<16xi32>) : vector<16xi1>, vector<16xi32>
    %add3A_165 = vector.broadcast %sub3A_12 : i32 to vector<16xi32>
    %add3A_166 = arith.addi %unique3A_164, %add3A_165 : vector<16xi32>
    %convert_element_type3A_167 = arith.sitofp %add3A_166 : vector<16xi32> to vector<16xf32>
    tpu.vector_store_idx %arg13[%get3A_160], %convert_element_type3A_167 masked %unique3A_163 {add = true} : memref<10240xf32, #tpu.memory_space<vmem>>[vector<16xi32>], vector<16xf32>, vector<16xi1>
    %get3A_168 = arith.constant 124 : i32
    %get3A_169 = arith.constant 0 : i32
    %get3A_170 = tpu.memref_slice %arg10[%get3A_168, %get3A_169] : memref<125x80xi32, #tpu.memory_space<vmem>> -> memref<1x80xi32, #tpu.memory_space<vmem>>
    %get3A_171 = tpu.memref_squeeze %get3A_170 : memref<1x80xi32, #tpu.memory_space<vmem>> -> memref<80xi32, #tpu.memory_space<vmem>>
    %get3A_172 = arith.constant 64 : index
    %get3A_173 = tpu.vector_load %get3A_171[%get3A_172] {strides = array<i32>} : memref<80xi32, #tpu.memory_space<vmem>>, vector<16xi32>,
    %broadcast_in_dim3A_174 = arith.constant true
    %broadcast_in_dim3A_175 = vector.broadcast %broadcast_in_dim3A_174 : i1 to vector<16xi1>
    %unique3A_176, %unique3A_177 = tpu.scan_count mask(%broadcast_in_dim3A_175 : vector<16xi1>) value(%get3A_173 : vector<16xi32>) : vector<16xi1>, vector<16xi32>
    %add3A_178 = vector.broadcast %sub3A_12 : i32 to vector<16xi32>
    %add3A_179 = arith.addi %unique3A_177, %add3A_178 : vector<16xi32>
    %convert_element_type3A_180 = arith.sitofp %add3A_179 : vector<16xi32> to vector<16xf32>
    tpu.vector_store_idx %arg13[%get3A_173], %convert_element_type3A_180 masked %unique3A_176 {add = true} : memref<10240xf32, #tpu.memory_space<vmem>>[vector<16xi32>], vector<16xf32>, vector<16xi1>
    %dma_wait3A_181 = arith.constant 0 : i32
    %dma_wait3A_182 = arith.constant 0 : i32
    %dma_wait3A_183 = tpu.memref_slice %arg5[%dma_wait3A_181, %dma_wait3A_182] : memref<10240x128xf32, #tpu.memory_space<hbm>> -> memref<80x128xf32, #tpu.memory_space<hbm>>
    %dma_wait3A_184 = arith.constant 0 : i32
    %dma_wait3A_185 = arith.constant 0 : i32
    %dma_wait3A_186 = tpu.memref_slice %arg5[%dma_wait3A_184, %dma_wait3A_185] : memref<10240x128xf32, #tpu.memory_space<hbm>> -> memref<80x128xf32, #tpu.memory_space<hbm>>
    tpu.wait_dma2 semaphore(%arg19 : memref<!tpu.dma_semaphore, #tpu.memory_space<semaphore_mem>>) src(%dma_wait3A_186 : memref<80x128xf32, #tpu.memory_space<hbm>>) dst(%arg11 : memref<80x128xf32, #tpu.memory_space<vmem>>)
    %barrier3A_187 = arith.constant 0 : index
    tpu.barrier barrier_id(%barrier3A_187)
    %mul3A_188 = arith.constant 640 : i32
    %mul3A_189 = arith.muli %arg1, %mul3A_188 : i32
    %mul3A_190 = arith.constant 640 : i32
    %mul3A_191 = arith.muli %arg1, %mul3A_190 : i32
    "tpu.region"() ({
      %run_scoped3A_192 = tpu.sem_alloc : memref<!tpu.dma_semaphore, #tpu.memory_space<semaphore_mem>>
      %dma_start3A_193 = arith.constant 0 : i32
      %dma_start3A_194 = arith.constant 0 : i32
      %dma_start3A_195 = tpu.memref_slice %arg6[%arg0, %dma_start3A_193, %dma_start3A_194] : memref<2x10240x128xf32, #tpu.memory_space<hbm>> -> memref<1x10240x128xf32, #tpu.memory_space<hbm>>
      %dma_start3A_196 = tpu.memref_squeeze %dma_start3A_195 : memref<1x10240x128xf32, #tpu.memory_space<hbm>> -> memref<10240x128xf32, #tpu.memory_space<hbm>>
      %dma_start3A_197 = arith.constant 0 : i32
      %dma_start3A_198 = tpu.memref_slice %dma_start3A_196[%mul3A_191, %dma_start3A_197] : memref<10240x128xf32, #tpu.memory_space<hbm>> -> memref<640x128xf32, #tpu.memory_space<hbm>>
      %dma_start3A_199 = arith.constant 0 : i32
      %dma_start3A_200 = tpu.memref_slice %arg14[%mul3A_189, %dma_start3A_199] : memref<10240x128xf32, #tpu.memory_space<vmem_shared>> -> memref<640x128xf32, #tpu.memory_space<vmem_shared>>
      tpu.enqueue_dma source(%dma_start3A_200 : memref<640x128xf32, #tpu.memory_space<vmem_shared>>) target(%dma_start3A_198 : memref<640x128xf32, #tpu.memory_space<hbm>>) target_semaphore(%run_scoped3A_192 : memref<!tpu.dma_semaphore, #tpu.memory_space<semaphore_mem>>)
      %dma_wait3A_201 = arith.constant 0 : i32
      %dma_wait3A_202 = arith.constant 0 : i32
      %dma_wait3A_203 = tpu.memref_slice %arg6[%arg0, %dma_wait3A_201, %dma_wait3A_202] : memref<2x10240x128xf32, #tpu.memory_space<hbm>> -> memref<1x10240x128xf32, #tpu.memory_space<hbm>>
      %dma_wait3A_204 = tpu.memref_squeeze %dma_wait3A_203 : memref<1x10240x128xf32, #tpu.memory_space<hbm>> -> memref<10240x128xf32, #tpu.memory_space<hbm>>
      %dma_wait3A_205 = arith.constant 0 : i32
      %dma_wait3A_206 = tpu.memref_slice %dma_wait3A_204[%mul3A_191, %dma_wait3A_205] : memref<10240x128xf32, #tpu.memory_space<hbm>> -> memref<640x128xf32, #tpu.memory_space<hbm>>
      %dma_wait3A_207 = arith.constant 0 : i32
      %dma_wait3A_208 = tpu.memref_slice %arg14[%mul3A_189, %dma_wait3A_207] : memref<10240x128xf32, #tpu.memory_space<vmem_shared>> -> memref<640x128xf32, #tpu.memory_space<vmem_shared>>
      tpu.wait_dma2 semaphore(%run_scoped3A_192 : memref<!tpu.dma_semaphore, #tpu.memory_space<semaphore_mem>>) src(%dma_wait3A_208 : memref<640x128xf32, #tpu.memory_space<vmem_shared>>) dst(%dma_wait3A_206 : memref<640x128xf32, #tpu.memory_space<hbm>>)
      tpu.yield
    }) : () -> ()
    %run_scoped3A = arith.constant 0 : i32
    "tpu.region"() ({
      %run_scoped3A_192 = tpu.sem_alloc : memref<!tpu.dma_semaphore, #tpu.memory_space<semaphore_mem>>
      %dma_start3A_193 = arith.constant 0 : i32
      %dma_start3A_194 = tpu.memref_slice %arg7[%add3A, %run_scoped3A, %dma_start3A_193] : memref<32x1x10240xf32, #tpu.memory_space<hbm>> -> memref<1x1x10240xf32, #tpu.memory_space<hbm>>
      %dma_start3A_195 = tpu.memref_squeeze %dma_start3A_194 : memref<1x1x10240xf32, #tpu.memory_space<hbm>> -> memref<10240xf32, #tpu.memory_space<hbm>>
      %dma_start3A_196 = arith.constant 0 : i32
      %dma_start3A_197 = tpu.memref_slice %arg7[%add3A, %run_scoped3A, %dma_start3A_196] : memref<32x1x10240xf32, #tpu.memory_space<hbm>> -> memref<1x1x10240xf32, #tpu.memory_space<hbm>>
      %dma_start3A_198 = tpu.memref_squeeze %dma_start3A_197 : memref<1x1x10240xf32, #tpu.memory_space<hbm>> -> memref<10240xf32, #tpu.memory_space<hbm>>
      tpu.enqueue_dma source(%arg13 : memref<10240xf32, #tpu.memory_space<vmem>>) target(%dma_start3A_198 : memref<10240xf32, #tpu.memory_space<hbm>>) target_semaphore(%run_scoped3A_192 : memref<!tpu.dma_semaphore, #tpu.memory_space<semaphore_mem>>)
      %dma_wait3A_199 = arith.constant 0 : i32
      %dma_wait3A_200 = tpu.memref_slice %arg7[%add3A, %run_scoped3A, %dma_wait3A_199] : memref<32x1x10240xf32, #tpu.memory_space<hbm>> -> memref<1x1x10240xf32, #tpu.memory_space<hbm>>
      %dma_wait3A_201 = tpu.memref_squeeze %dma_wait3A_200 : memref<1x1x10240xf32, #tpu.memory_space<hbm>> -> memref<10240xf32, #tpu.memory_space<hbm>>
      %dma_wait3A_202 = arith.constant 0 : i32
      %dma_wait3A_203 = tpu.memref_slice %arg7[%add3A, %run_scoped3A, %dma_wait3A_202] : memref<32x1x10240xf32, #tpu.memory_space<hbm>> -> memref<1x1x10240xf32, #tpu.memory_space<hbm>>
      %dma_wait3A_204 = tpu.memref_squeeze %dma_wait3A_203 : memref<1x1x10240xf32, #tpu.memory_space<hbm>> -> memref<10240xf32, #tpu.memory_space<hbm>>
      tpu.wait_dma2 semaphore(%run_scoped3A_192 : memref<!tpu.dma_semaphore, #tpu.memory_space<semaphore_mem>>) src(%arg13 : memref<10240xf32, #tpu.memory_space<vmem>>) dst(%dma_wait3A_204 : memref<10240xf32, #tpu.memory_space<hbm>>)
      tpu.yield
    }) : () -> ()
    return
  }
}

#map = affine_map<(d0, d1) -> (0, 0)>
#map1 = affine_map<(d0, d1) -> (0, 0, 0)>
module attributes {stable_mosaic.version = 14 : i64} {
  func.func @_sc_body(%arg0: i32, %arg1: i32, %arg2: memref<10000x128xf32, #tpu.memory_space<hbm>>, %arg3: memref<32x125x80xi32, #tpu.memory_space<hbm>>, %arg4: memref<32x125x80xi32, #tpu.memory_space<hbm>>, %arg5: memref<10240x128xf32, #tpu.memory_space<hbm>>, %arg6: memref<2x10240x128xf32, #tpu.memory_space<hbm>>, %arg7: memref<32x1x10240xf32, #tpu.memory_space<hbm>>, %arg8: memref<80xi32, #tpu.memory_space<vmem>>, %arg9: memref<80xi32, #tpu.memory_space<vmem>>, %arg10: memref<125x80xi32, #tpu.memory_space<vmem>>, %arg11: memref<80x128xf32, #tpu.memory_space<vmem>>, %arg12: memref<80x128xf32, #tpu.memory_space<vmem>>, %arg13: memref<10240xf32, #tpu.memory_space<vmem>>, %arg14: memref<10240x128xf32, #tpu.memory_space<vmem_shared>>, %arg15: memref<!tpu.dma_semaphore, #tpu.memory_space<semaphore_mem>>, %arg16: memref<!tpu.dma_semaphore, #tpu.memory_space<semaphore_mem>>, %arg17: memref<!tpu.dma_semaphore, #tpu.memory_space<semaphore_mem>>, %arg18: memref<!tpu.dma_semaphore, #tpu.memory_space<semaphore_mem>>, %arg19: memref<!tpu.dma_semaphore, #tpu.memory_space<semaphore_mem>>, %arg20: memref<!tpu.dma_semaphore, #tpu.memory_space<semaphore_mem>>) attributes {dimension_semantics = [#tpu.dimension_semantics<core_parallel>, #tpu.dimension_semantics<subcore_parallel>], iteration_bounds = array<i64: 2, 16>, scalar_prefetch = 0 : i64, scratch_operands = 13 : i64, tpu.core_type = #tpu.core_type<sc_vector_subcore>, window_params = [{transform_indices = #map}, {transform_indices = #map1}, {transform_indices = #map1}, {transform_indices = #map}, {transform_indices = #map1}, {transform_indices = #map1}]} {
    %mul3A = arith.constant 16 : i32
    %mul3A_0 = arith.muli %arg0, %mul3A : i32
    %add3A = arith.addi %mul3A_0, %arg1 : i32
    %broadcast_in_dim3A = arith.constant 0 : i32
    %broadcast_in_dim3A_1 = vector.broadcast %broadcast_in_dim3A : i32 to vector<16xi32>
    %broadcast_in_dim3A_2 = arith.constant true
    %broadcast_in_dim3A_3 = vector.broadcast %broadcast_in_dim3A_2 : i1 to vector<16xi1>
    %unique3A, %unique3A_4 = tpu.scan_count mask(%broadcast_in_dim3A_3 : vector<16xi1>) value(%broadcast_in_dim3A_1 : vector<16xi32>) : vector<16xi1>, vector<16xi32>
    %reduce_max3A = arith.constant true
    %reduce_max3A_5 = vector.broadcast %reduce_max3A : i1 to vector<16xi1>
    %reduce_max3A_6 = arith.constant -2147483648 : i32
    %reduce_max3A_7 = vector.broadcast %reduce_max3A_6 : i32 to vector<16xi32>
    %reduce_max3A_8 = arith.xori %unique3A_4, %reduce_max3A_7 : vector<16xi32>
    %reduce_max3A_9 = tpu.scan <max>, %reduce_max3A_8 masked %reduce_max3A_5 : vector<16xi32>, vector<16xi1> -> vector<16xi32>
    %reduce_max3A_10 = arith.xori %reduce_max3A_9, %reduce_max3A_7 : vector<16xi32>
    %reduce_max3A_11 = vector.extract %reduce_max3A_10[15] : i32 from vector<16xi32>
    %sub3A = arith.constant 16 : i32
    %sub3A_12 = arith.subi %sub3A, %reduce_max3A_11 : i32
    %min3A = arith.constant 0 : i32
    %min3A_13 = arith.constant 124 : i32
    %min3A_14 = arith.minsi %min3A, %min3A_13 : i32
    %dma_start3A = arith.constant 0 : i32
    %dma_start3A_15 = arith.constant 0 : i32
    %dma_start3A_16 = tpu.memref_slice %arg3[%add3A, %dma_start3A, %dma_start3A_15] : memref<32x125x80xi32, #tpu.memory_space<hbm>> -> memref<1x125x80xi32, #tpu.memory_space<hbm>>
    %dma_start3A_17 = tpu.memref_squeeze %dma_start3A_16 : memref<1x125x80xi32, #tpu.memory_space<hbm>> -> memref<125x80xi32, #tpu.memory_space<hbm>>
    %dma_start3A_18 = arith.constant 0 : i32
    %dma_start3A_19 = tpu.memref_slice %dma_start3A_17[%min3A_14, %dma_start3A_18] : memref<125x80xi32, #tpu.memory_space<hbm>> -> memref<1x80xi32, #tpu.memory_space<hbm>>
    %dma_start3A_20 = tpu.memref_squeeze %dma_start3A_19 : memref<1x80xi32, #tpu.memory_space<hbm>> -> memref<80xi32, #tpu.memory_space<hbm>>
    %dma_start3A_21 = arith.constant 0 : i32
    %dma_start3A_22 = arith.constant 0 : i32
    %dma_start3A_23 = tpu.memref_slice %arg3[%add3A, %dma_start3A_21, %dma_start3A_22] : memref<32x125x80xi32, #tpu.memory_space<hbm>> -> memref<1x125x80xi32, #tpu.memory_space<hbm>>
    %dma_start3A_24 = tpu.memref_squeeze %dma_start3A_23 : memref<1x125x80xi32, #tpu.memory_space<hbm>> -> memref<125x80xi32, #tpu.memory_space<hbm>>
    %dma_start3A_25 = arith.constant 0 : i32
    %dma_start3A_26 = tpu.memref_slice %dma_start3A_24[%min3A_14, %dma_start3A_25] : memref<125x80xi32, #tpu.memory_space<hbm>> -> memref<1x80xi32, #tpu.memory_space<hbm>>
    %dma_start3A_27 = tpu.memref_squeeze %dma_start3A_26 : memref<1x80xi32, #tpu.memory_space<hbm>> -> memref<80xi32, #tpu.memory_space<hbm>>
    tpu.enqueue_dma source(%dma_start3A_27 : memref<80xi32, #tpu.memory_space<hbm>>) target(%arg8 : memref<80xi32, #tpu.memory_space<vmem>>) target_semaphore(%arg17 : memref<!tpu.dma_semaphore, #tpu.memory_space<semaphore_mem>>)
    %dma_wait3A = arith.constant 0 : i32
    %dma_wait3A_28 = arith.constant 0 : i32
    %dma_wait3A_29 = arith.constant 0 : i32
    %dma_wait3A_30 = tpu.memref_slice %arg3[%add3A, %dma_wait3A_28, %dma_wait3A_29] : memref<32x125x80xi32, #tpu.memory_space<hbm>> -> memref<1x125x80xi32, #tpu.memory_space<hbm>>
    %dma_wait3A_31 = tpu.memref_squeeze %dma_wait3A_30 : memref<1x125x80xi32, #tpu.memory_space<hbm>> -> memref<125x80xi32, #tpu.memory_space<hbm>>
    %dma_wait3A_32 = arith.constant 0 : i32
    %dma_wait3A_33 = tpu.memref_slice %dma_wait3A_31[%dma_wait3A, %dma_wait3A_32] : memref<125x80xi32, #tpu.memory_space<hbm>> -> memref<1x80xi32, #tpu.memory_space<hbm>>
    %dma_wait3A_34 = tpu.memref_squeeze %dma_wait3A_33 : memref<1x80xi32, #tpu.memory_space<hbm>> -> memref<80xi32, #tpu.memory_space<hbm>>
    %dma_wait3A_35 = arith.constant 0 : i32
    %dma_wait3A_36 = arith.constant 0 : i32
    %dma_wait3A_37 = tpu.memref_slice %arg3[%add3A, %dma_wait3A_35, %dma_wait3A_36] : memref<32x125x80xi32, #tpu.memory_space<hbm>> -> memref<1x125x80xi32, #tpu.memory_space<hbm>>
    %dma_wait3A_38 = tpu.memref_squeeze %dma_wait3A_37 : memref<1x125x80xi32, #tpu.memory_space<hbm>> -> memref<125x80xi32, #tpu.memory_space<hbm>>
    %dma_wait3A_39 = arith.constant 0 : i32
    %dma_wait3A_40 = tpu.memref_slice %dma_wait3A_38[%dma_wait3A, %dma_wait3A_39] : memref<125x80xi32, #tpu.memory_space<hbm>> -> memref<1x80xi32, #tpu.memory_space<hbm>>
    %dma_wait3A_41 = tpu.memref_squeeze %dma_wait3A_40 : memref<1x80xi32, #tpu.memory_space<hbm>> -> memref<80xi32, #tpu.memory_space<hbm>>
    tpu.wait_dma2 semaphore(%arg17 : memref<!tpu.dma_semaphore, #tpu.memory_space<semaphore_mem>>) src(%dma_wait3A_41 : memref<80xi32, #tpu.memory_space<hbm>>) dst(%arg8 : memref<80xi32, #tpu.memory_space<vmem>>)
    %dma_start3A_42 = arith.constant 0 : i32
    %dma_start3A_43 = arith.constant 0 : i32
    %dma_start3A_44 = tpu.memref_slice %arg11[%dma_start3A_42, %dma_start3A_43] : memref<80x128xf32, #tpu.memory_space<vmem>> -> memref<40x128xf32, #tpu.memory_space<vmem>>
    %dma_start3A_45 = arith.constant 0 : i32
    %dma_start3A_46 = tpu.memref_slice %arg8[%dma_start3A_45] : memref<80xi32, #tpu.memory_space<vmem>> -> memref<40xi32, #tpu.memory_space<vmem>>
    %dma_start3A_47 = arith.constant 0 : i32
    %dma_start3A_48 = arith.constant 0 : i32
    %dma_start3A_49 = tpu.memref_slice %arg2[%dma_start3A_47, %dma_start3A_48] : memref<10000x128xf32, #tpu.memory_space<hbm>> -> memref<10000x128xf32, #tpu.memory_space<hbm>>
    tpu.enqueue_indirect_dma source(%dma_start3A_49 : memref<10000x128xf32, #tpu.memory_space<hbm>>) target(%dma_start3A_44 : memref<40x128xf32, #tpu.memory_space<vmem>>) offsets(%dma_start3A_46 : memref<40xi32, #tpu.memory_space<vmem>>) semaphore(%arg15 : memref<!tpu.dma_semaphore, #tpu.memory_space<semaphore_mem>>)
    %dma_start3A_50 = arith.constant 40 : i32
    %dma_start3A_51 = arith.constant 0 : i32
    %dma_start3A_52 = tpu.memref_slice %arg11[%dma_start3A_50, %dma_start3A_51] : memref<80x128xf32, #tpu.memory_space<vmem>> -> memref<40x128xf32, #tpu.memory_space<vmem>>
    %dma_start3A_53 = arith.constant 40 : i32
    %dma_start3A_54 = tpu.memref_slice %arg8[%dma_start3A_53] : memref<80xi32, #tpu.memory_space<vmem>> -> memref<40xi32, #tpu.memory_space<vmem>>
    %dma_start3A_55 = arith.constant 0 : i32
    %dma_start3A_56 = arith.constant 0 : i32
    %dma_start3A_57 = tpu.memref_slice %arg2[%dma_start3A_55, %dma_start3A_56] : memref<10000x128xf32, #tpu.memory_space<hbm>> -> memref<10000x128xf32, #tpu.memory_space<hbm>>
    tpu.enqueue_indirect_dma source(%dma_start3A_57 : memref<10000x128xf32, #tpu.memory_space<hbm>>) target(%dma_start3A_52 : memref<40x128xf32, #tpu.memory_space<vmem>>) offsets(%dma_start3A_54 : memref<40xi32, #tpu.memory_space<vmem>>) semaphore(%arg15 : memref<!tpu.dma_semaphore, #tpu.memory_space<semaphore_mem>>)
    %min3A_58 = arith.constant 1 : i32
    %min3A_59 = arith.constant 124 : i32
    %min3A_60 = arith.minsi %min3A_58, %min3A_59 : i32
    %dma_start3A_61 = arith.constant 0 : i32
    %dma_start3A_62 = arith.constant 0 : i32
    %dma_start3A_63 = tpu.memref_slice %arg3[%add3A, %dma_start3A_61, %dma_start3A_62] : memref<32x125x80xi32, #tpu.memory_space<hbm>> -> memref<1x125x80xi32, #tpu.memory_space<hbm>>
    %dma_start3A_64 = tpu.memref_squeeze %dma_start3A_63 : memref<1x125x80xi32, #tpu.memory_space<hbm>> -> memref<125x80xi32, #tpu.memory_space<hbm>>
    %dma_start3A_65 = arith.constant 0 : i32
    %dma_start3A_66 = tpu.memref_slice %dma_start3A_64[%min3A_60, %dma_start3A_65] : memref<125x80xi32, #tpu.memory_space<hbm>> -> memref<1x80xi32, #tpu.memory_space<hbm>>
    %dma_start3A_67 = tpu.memref_squeeze %dma_start3A_66 : memref<1x80xi32, #tpu.memory_space<hbm>> -> memref<80xi32, #tpu.memory_space<hbm>>
    %dma_start3A_68 = arith.constant 0 : i32
    %dma_start3A_69 = arith.constant 0 : i32
    %dma_start3A_70 = tpu.memref_slice %arg3[%add3A, %dma_start3A_68, %dma_start3A_69] : memref<32x125x80xi32, #tpu.memory_space<hbm>> -> memref<1x125x80xi32, #tpu.memory_space<hbm>>
    %dma_start3A_71 = tpu.memref_squeeze %dma_start3A_70 : memref<1x125x80xi32, #tpu.memory_space<hbm>> -> memref<125x80xi32, #tpu.memory_space<hbm>>
    %dma_start3A_72 = arith.constant 0 : i32
    %dma_start3A_73 = tpu.memref_slice %dma_start3A_71[%min3A_60, %dma_start3A_72] : memref<125x80xi32, #tpu.memory_space<hbm>> -> memref<1x80xi32, #tpu.memory_space<hbm>>
    %dma_start3A_74 = tpu.memref_squeeze %dma_start3A_73 : memref<1x80xi32, #tpu.memory_space<hbm>> -> memref<80xi32, #tpu.memory_space<hbm>>
    tpu.enqueue_dma source(%dma_start3A_74 : memref<80xi32, #tpu.memory_space<hbm>>) target(%arg9 : memref<80xi32, #tpu.memory_space<vmem>>) target_semaphore(%arg18 : memref<!tpu.dma_semaphore, #tpu.memory_space<semaphore_mem>>)
    %mul3A_75 = arith.constant 640 : i32
    %mul3A_76 = arith.muli %arg1, %mul3A_75 : i32
    %mul3A_77 = arith.constant 640 : i32
    %mul3A_78 = arith.muli %arg1, %mul3A_77 : i32
    "tpu.region"() ({
      %run_scoped3A_192 = tpu.sem_alloc : memref<!tpu.dma_semaphore, #tpu.memory_space<semaphore_mem>>
      %dma_start3A_193 = arith.constant 0 : i32
      %dma_start3A_194 = tpu.memref_slice %arg14[%mul3A_78, %dma_start3A_193] : memref<10240x128xf32, #tpu.memory_space<vmem_shared>> -> memref<640x128xf32, #tpu.memory_space<vmem_shared>>
      %dma_start3A_195 = arith.constant 0 : i32
      %dma_start3A_196 = tpu.memref_slice %arg5[%mul3A_76, %dma_start3A_195] : memref<10240x128xf32, #tpu.memory_space<hbm>> -> memref<640x128xf32, #tpu.memory_space<hbm>>
      tpu.enqueue_dma source(%dma_start3A_196 : memref<640x128xf32, #tpu.memory_space<hbm>>) target(%dma_start3A_194 : memref<640x128xf32, #tpu.memory_space<vmem_shared>>) target_semaphore(%run_scoped3A_192 : memref<!tpu.dma_semaphore, #tpu.memory_space<semaphore_mem>>)
      %dma_wait3A_197 = arith.constant 0 : i32
      %dma_wait3A_198 = tpu.memref_slice %arg14[%mul3A_78, %dma_wait3A_197] : memref<10240x128xf32, #tpu.memory_space<vmem_shared>> -> memref<640x128xf32, #tpu.memory_space<vmem_shared>>
      %dma_wait3A_199 = arith.constant 0 : i32
      %dma_wait3A_200 = tpu.memref_slice %arg5[%mul3A_76, %dma_wait3A_199] : memref<10240x128xf32, #tpu.memory_space<hbm>> -> memref<640x128xf32, #tpu.memory_space<hbm>>
      tpu.wait_dma2 semaphore(%run_scoped3A_192 : memref<!tpu.dma_semaphore, #tpu.memory_space<semaphore_mem>>) src(%dma_wait3A_200 : memref<640x128xf32, #tpu.memory_space<hbm>>) dst(%dma_wait3A_198 : memref<640x128xf32, #tpu.memory_space<vmem_shared>>)
      tpu.yield
    }) : () -> ()
    "tpu.region"() ({
      %run_scoped3A_192 = tpu.sem_alloc : memref<!tpu.dma_semaphore, #tpu.memory_space<semaphore_mem>>
      %dma_start3A_193 = arith.constant 0 : i32
      %dma_start3A_194 = arith.constant 0 : i32
      %dma_start3A_195 = tpu.memref_slice %arg4[%add3A, %dma_start3A_193, %dma_start3A_194] : memref<32x125x80xi32, #tpu.memory_space<hbm>> -> memref<1x125x80xi32, #tpu.memory_space<hbm>>
      %dma_start3A_196 = tpu.memref_squeeze %dma_start3A_195 : memref<1x125x80xi32, #tpu.memory_space<hbm>> -> memref<125x80xi32, #tpu.memory_space<hbm>>
      %dma_start3A_197 = arith.constant 0 : i32
      %dma_start3A_198 = arith.constant 0 : i32
      %dma_start3A_199 = tpu.memref_slice %arg4[%add3A, %dma_start3A_197, %dma_start3A_198] : memref<32x125x80xi32, #tpu.memory_space<hbm>> -> memref<1x125x80xi32, #tpu.memory_space<hbm>>
      %dma_start3A_200 = tpu.memref_squeeze %dma_start3A_199 : memref<1x125x80xi32, #tpu.memory_space<hbm>> -> memref<125x80xi32, #tpu.memory_space<hbm>>
      tpu.enqueue_dma source(%dma_start3A_200 : memref<125x80xi32, #tpu.memory_space<hbm>>) target(%arg10 : memref<125x80xi32, #tpu.memory_space<vmem>>) target_semaphore(%run_scoped3A_192 : memref<!tpu.dma_semaphore, #tpu.memory_space<semaphore_mem>>)
      %dma_wait3A_201 = arith.constant 0 : i32
      %dma_wait3A_202 = arith.constant 0 : i32
      %dma_wait3A_203 = tpu.memref_slice %arg4[%add3A, %dma_wait3A_201, %dma_wait3A_202] : memref<32x125x80xi32, #tpu.memory_space<hbm>> -> memref<1x125x80xi32, #tpu.memory_space<hbm>>
      %dma_wait3A_204 = tpu.memref_squeeze %dma_wait3A_203 : memref<1x125x80xi32, #tpu.memory_space<hbm>> -> memref<125x80xi32, #tpu.memory_space<hbm>>
      %dma_wait3A_205 = arith.constant 0 : i32
      %dma_wait3A_206 = arith.constant 0 : i32
      %dma_wait3A_207 = tpu.memref_slice %arg4[%add3A, %dma_wait3A_205, %dma_wait3A_206] : memref<32x125x80xi32, #tpu.memory_space<hbm>> -> memref<1x125x80xi32, #tpu.memory_space<hbm>>
      %dma_wait3A_208 = tpu.memref_squeeze %dma_wait3A_207 : memref<1x125x80xi32, #tpu.memory_space<hbm>> -> memref<125x80xi32, #tpu.memory_space<hbm>>
      tpu.wait_dma2 semaphore(%run_scoped3A_192 : memref<!tpu.dma_semaphore, #tpu.memory_space<semaphore_mem>>) src(%dma_wait3A_208 : memref<125x80xi32, #tpu.memory_space<hbm>>) dst(%arg10 : memref<125x80xi32, #tpu.memory_space<vmem>>)
      tpu.yield
    }) : () -> ()
    %scan3A = arith.constant 0 : i32
    %scan3A_79 = arith.constant 0 : i32
    %scan3A_80 = arith.constant 640 : i32
    %scan3A_81 = arith.addi %scan3A_79, %scan3A_80 : i32
    %scan3A_82 = arith.constant 1 : i32
    scf.for %scan3A_192 = %scan3A_79 to %scan3A_81 step %scan3A_82  : i32 {
      %broadcast_in_dim3A_193 = arith.constant 0.000000e+00 : f32
      %broadcast_in_dim3A_194 = vector.broadcast %broadcast_in_dim3A_193 : f32 to vector<16xf32>
      %mul3A_195 = arith.constant 16 : i32
      %mul3A_196 = arith.muli %scan3A_192, %mul3A_195 : i32
      %swap3A = arith.index_cast %mul3A_196 : i32 to index
      %swap3A_197 = tpu.vector_load %arg13[%swap3A] {strides = array<i32>} : memref<10240xf32, #tpu.memory_space<vmem>>, vector<16xf32>,
      tpu.vector_store %arg13[%swap3A], %broadcast_in_dim3A_194 {strides = array<i32>} : memref<10240xf32, #tpu.memory_space<vmem>>, vector<16xf32>,
    }
    %scan3A_83 = arith.constant 640 : i32
    %dma_wait3A_84 = arith.constant 0 : i32
    %dma_wait3A_85 = arith.constant 0 : i32
    %dma_wait3A_86 = arith.constant 0 : i32
    %dma_wait3A_87 = tpu.memref_slice %arg3[%add3A, %dma_wait3A_85, %dma_wait3A_86] : memref<32x125x80xi32, #tpu.memory_space<hbm>> -> memref<1x125x80xi32, #tpu.memory_space<hbm>>
    %dma_wait3A_88 = tpu.memref_squeeze %dma_wait3A_87 : memref<1x125x80xi32, #tpu.memory_space<hbm>> -> memref<125x80xi32, #tpu.memory_space<hbm>>
    %dma_wait3A_89 = arith.constant 0 : i32
    %dma_wait3A_90 = tpu.memref_slice %dma_wait3A_88[%dma_wait3A_84, %dma_wait3A_89] : memref<125x80xi32, #tpu.memory_space<hbm>> -> memref<1x80xi32, #tpu.memory_space<hbm>>
    %dma_wait3A_91 = tpu.memref_squeeze %dma_wait3A_90 : memref<1x80xi32, #tpu.memory_space<hbm>> -> memref<80xi32, #tpu.memory_space<hbm>>
    %dma_wait3A_92 = arith.constant 0 : i32
    %dma_wait3A_93 = arith.constant 0 : i32
    %dma_wait3A_94 = tpu.memref_slice %arg3[%add3A, %dma_wait3A_92, %dma_wait3A_93] : memref<32x125x80xi32, #tpu.memory_space<hbm>> -> memref<1x125x80xi32, #tpu.memory_space<hbm>>
    %dma_wait3A_95 = tpu.memref_squeeze %dma_wait3A_94 : memref<1x125x80xi32, #tpu.memory_space<hbm>> -> memref<125x80xi32, #tpu.memory_space<hbm>>
    %dma_wait3A_96 = arith.constant 0 : i32
    %dma_wait3A_97 = tpu.memref_slice %dma_wait3A_95[%dma_wait3A_84, %dma_wait3A_96] : memref<125x80xi32, #tpu.memory_space<hbm>> -> memref<1x80xi32, #tpu.memory_space<hbm>>
    %dma_wait3A_98 = tpu.memref_squeeze %dma_wait3A_97 : memref<1x80xi32, #tpu.memory_space<hbm>> -> memref<80xi32, #tpu.memory_space<hbm>>
    tpu.wait_dma2 semaphore(%arg18 : memref<!tpu.dma_semaphore, #tpu.memory_space<semaphore_mem>>) src(%dma_wait3A_98 : memref<80xi32, #tpu.memory_space<hbm>>) dst(%arg9 : memref<80xi32, #tpu.memory_space<vmem>>)
    %barrier3A = arith.constant 0 : index
    tpu.barrier barrier_id(%barrier3A)
    %scan3A_99 = arith.constant 0 : i32
    %scan3A_100 = arith.constant 0 : i32
    %scan3A_101 = arith.constant 62 : i32
    %scan3A_102 = arith.addi %scan3A_100, %scan3A_101 : i32
    %scan3A_103 = arith.constant 1 : i32
    scf.for %scan3A_192 = %scan3A_100 to %scan3A_102 step %scan3A_103  : i32 {
      %mul3A_193 = arith.constant 2 : i32
      %mul3A_194 = arith.muli %mul3A_193, %scan3A_192 : i32
      %dma_start3A_195 = arith.constant 0 : i32
      %dma_start3A_196 = arith.constant 0 : i32
      %dma_start3A_197 = tpu.memref_slice %arg12[%dma_start3A_195, %dma_start3A_196] : memref<80x128xf32, #tpu.memory_space<vmem>> -> memref<40x128xf32, #tpu.memory_space<vmem>>
      %dma_start3A_198 = arith.constant 0 : i32
      %dma_start3A_199 = tpu.memref_slice %arg9[%dma_start3A_198] : memref<80xi32, #tpu.memory_space<vmem>> -> memref<40xi32, #tpu.memory_space<vmem>>
      %dma_start3A_200 = arith.constant 0 : i32
      %dma_start3A_201 = arith.constant 0 : i32
      %dma_start3A_202 = tpu.memref_slice %arg2[%dma_start3A_200, %dma_start3A_201] : memref<10000x128xf32, #tpu.memory_space<hbm>> -> memref<10000x128xf32, #tpu.memory_space<hbm>>
      tpu.enqueue_indirect_dma source(%dma_start3A_202 : memref<10000x128xf32, #tpu.memory_space<hbm>>) target(%dma_start3A_197 : memref<40x128xf32, #tpu.memory_space<vmem>>) offsets(%dma_start3A_199 : memref<40xi32, #tpu.memory_space<vmem>>) semaphore(%arg16 : memref<!tpu.dma_semaphore, #tpu.memory_space<semaphore_mem>>)
      %dma_start3A_203 = arith.constant 40 : i32
      %dma_start3A_204 = arith.constant 0 : i32
      %dma_start3A_205 = tpu.memref_slice %arg12[%dma_start3A_203, %dma_start3A_204] : memref<80x128xf32, #tpu.memory_space<vmem>> -> memref<40x128xf32, #tpu.memory_space<vmem>>
      %dma_start3A_206 = arith.constant 40 : i32
      %dma_start3A_207 = tpu.memref_slice %arg9[%dma_start3A_206] : memref<80xi32, #tpu.memory_space<vmem>> -> memref<40xi32, #tpu.memory_space<vmem>>
      %dma_start3A_208 = arith.constant 0 : i32
      %dma_start3A_209 = arith.constant 0 : i32
      %dma_start3A_210 = tpu.memref_slice %arg2[%dma_start3A_208, %dma_start3A_209] : memref<10000x128xf32, #tpu.memory_space<hbm>> -> memref<10000x128xf32, #tpu.memory_space<hbm>>
      tpu.enqueue_indirect_dma source(%dma_start3A_210 : memref<10000x128xf32, #tpu.memory_space<hbm>>) target(%dma_start3A_205 : memref<40x128xf32, #tpu.memory_space<vmem>>) offsets(%dma_start3A_207 : memref<40xi32, #tpu.memory_space<vmem>>) semaphore(%arg16 : memref<!tpu.dma_semaphore, #tpu.memory_space<semaphore_mem>>)
      %dma_wait3A_211 = arith.constant 0 : i32
      %dma_wait3A_212 = arith.constant 0 : i32
      %dma_wait3A_213 = tpu.memref_slice %arg5[%dma_wait3A_211, %dma_wait3A_212] : memref<10240x128xf32, #tpu.memory_space<hbm>> -> memref<80x128xf32, #tpu.memory_space<hbm>>
      %dma_wait3A_214 = arith.constant 0 : i32
      %dma_wait3A_215 = arith.constant 0 : i32
      %dma_wait3A_216 = tpu.memref_slice %arg5[%dma_wait3A_214, %dma_wait3A_215] : memref<10240x128xf32, #tpu.memory_space<hbm>> -> memref<80x128xf32, #tpu.memory_space<hbm>>
      tpu.wait_dma2 semaphore(%arg15 : memref<!tpu.dma_semaphore, #tpu.memory_space<semaphore_mem>>) src(%dma_wait3A_216 : memref<80x128xf32, #tpu.memory_space<hbm>>) dst(%arg11 : memref<80x128xf32, #tpu.memory_space<vmem>>)
      %add3A_217 = arith.constant 2 : i32
      %add3A_218 = arith.addi %mul3A_194, %add3A_217 : i32
      %min3A_219 = arith.constant 124 : i32
      %min3A_220 = arith.minsi %add3A_218, %min3A_219 : i32
      %dma_start3A_221 = arith.constant 0 : i32
      %dma_start3A_222 = arith.constant 0 : i32
      %dma_start3A_223 = tpu.memref_slice %arg3[%add3A, %dma_start3A_221, %dma_start3A_222] : memref<32x125x80xi32, #tpu.memory_space<hbm>> -> memref<1x125x80xi32, #tpu.memory_space<hbm>>
      %dma_start3A_224 = tpu.memref_squeeze %dma_start3A_223 : memref<1x125x80xi32, #tpu.memory_space<hbm>> -> memref<125x80xi32, #tpu.memory_space<hbm>>
      %dma_start3A_225 = arith.constant 0 : i32
      %dma_start3A_226 = tpu.memref_slice %dma_start3A_224[%min3A_220, %dma_start3A_225] : memref<125x80xi32, #tpu.memory_space<hbm>> -> memref<1x80xi32, #tpu.memory_space<hbm>>
      %dma_start3A_227 = tpu.memref_squeeze %dma_start3A_226 : memref<1x80xi32, #tpu.memory_space<hbm>> -> memref<80xi32, #tpu.memory_space<hbm>>
      %dma_start3A_228 = arith.constant 0 : i32
      %dma_start3A_229 = arith.constant 0 : i32
      %dma_start3A_230 = tpu.memref_slice %arg3[%add3A, %dma_start3A_228, %dma_start3A_229] : memref<32x125x80xi32, #tpu.memory_space<hbm>> -> memref<1x125x80xi32, #tpu.memory_space<hbm>>
      %dma_start3A_231 = tpu.memref_squeeze %dma_start3A_230 : memref<1x125x80xi32, #tpu.memory_space<hbm>> -> memref<125x80xi32, #tpu.memory_space<hbm>>
      %dma_start3A_232 = arith.constant 0 : i32
      %dma_start3A_233 = tpu.memref_slice %dma_start3A_231[%min3A_220, %dma_start3A_232] : memref<125x80xi32, #tpu.memory_space<hbm>> -> memref<1x80xi32, #tpu.memory_space<hbm>>
      %dma_start3A_234 = tpu.memref_squeeze %dma_start3A_233 : memref<1x80xi32, #tpu.memory_space<hbm>> -> memref<80xi32, #tpu.memory_space<hbm>>
      tpu.enqueue_dma source(%dma_start3A_234 : memref<80xi32, #tpu.memory_space<hbm>>) target(%arg8 : memref<80xi32, #tpu.memory_space<vmem>>) target_semaphore(%arg17 : memref<!tpu.dma_semaphore, #tpu.memory_space<semaphore_mem>>)
      %dma_start3A_235 = arith.constant 0 : i32
      %dma_start3A_236 = tpu.memref_slice %arg10[%mul3A_194, %dma_start3A_235] : memref<125x80xi32, #tpu.memory_space<vmem>> -> memref<1x80xi32, #tpu.memory_space<vmem>>
      %dma_start3A_237 = tpu.memref_squeeze %dma_start3A_236 : memref<1x80xi32, #tpu.memory_space<vmem>> -> memref<80xi32, #tpu.memory_space<vmem>>
      %dma_start3A_238 = arith.constant 0 : i32
      %dma_start3A_239 = arith.constant 0 : i32
      %dma_start3A_240 = tpu.memref_slice %arg14[%dma_start3A_238, %dma_start3A_239] : memref<10240x128xf32, #tpu.memory_space<vmem_shared>> -> memref<10240x128xf32, #tpu.memory_space<vmem_shared>>
      tpu.enqueue_indirect_dma source(%arg11 : memref<80x128xf32, #tpu.memory_space<vmem>>) target(%dma_start3A_240 : memref<10240x128xf32, #tpu.memory_space<vmem_shared>>) offsets(%dma_start3A_237 : memref<80xi32, #tpu.memory_space<vmem>>) semaphore(%arg19 : memref<!tpu.dma_semaphore, #tpu.memory_space<semaphore_mem>>) {add = true}
      %get3A_241 = arith.constant 0 : i32
      %get3A_242 = tpu.memref_slice %arg10[%mul3A_194, %get3A_241] : memref<125x80xi32, #tpu.memory_space<vmem>> -> memref<1x80xi32, #tpu.memory_space<vmem>>
      %get3A_243 = tpu.memref_squeeze %get3A_242 : memref<1x80xi32, #tpu.memory_space<vmem>> -> memref<80xi32, #tpu.memory_space<vmem>>
      %get3A_244 = arith.constant 0 : index
      %get3A_245 = tpu.vector_load %get3A_243[%get3A_244] {strides = array<i32>} : memref<80xi32, #tpu.memory_space<vmem>>, vector<16xi32>,
      %broadcast_in_dim3A_246 = arith.constant true
      %broadcast_in_dim3A_247 = vector.broadcast %broadcast_in_dim3A_246 : i1 to vector<16xi1>
      %unique3A_248, %unique3A_249 = tpu.scan_count mask(%broadcast_in_dim3A_247 : vector<16xi1>) value(%get3A_245 : vector<16xi32>) : vector<16xi1>, vector<16xi32>
      %add3A_250 = vector.broadcast %sub3A_12 : i32 to vector<16xi32>
      %add3A_251 = arith.addi %unique3A_249, %add3A_250 : vector<16xi32>
      %convert_element_type3A_252 = arith.sitofp %add3A_251 : vector<16xi32> to vector<16xf32>
      tpu.vector_store_idx %arg13[%get3A_245], %convert_element_type3A_252 masked %unique3A_248 {add = true} : memref<10240xf32, #tpu.memory_space<vmem>>[vector<16xi32>], vector<16xf32>, vector<16xi1>
      %get3A_253 = arith.constant 0 : i32
      %get3A_254 = tpu.memref_slice %arg10[%mul3A_194, %get3A_253] : memref<125x80xi32, #tpu.memory_space<vmem>> -> memref<1x80xi32, #tpu.memory_space<vmem>>
      %get3A_255 = tpu.memref_squeeze %get3A_254 : memref<1x80xi32, #tpu.memory_space<vmem>> -> memref<80xi32, #tpu.memory_space<vmem>>
      %get3A_256 = arith.constant 16 : index
      %get3A_257 = tpu.vector_load %get3A_255[%get3A_256] {strides = array<i32>} : memref<80xi32, #tpu.memory_space<vmem>>, vector<16xi32>,
      %broadcast_in_dim3A_258 = arith.constant true
      %broadcast_in_dim3A_259 = vector.broadcast %broadcast_in_dim3A_258 : i1 to vector<16xi1>
      %unique3A_260, %unique3A_261 = tpu.scan_count mask(%broadcast_in_dim3A_259 : vector<16xi1>) value(%get3A_257 : vector<16xi32>) : vector<16xi1>, vector<16xi32>
      %add3A_262 = vector.broadcast %sub3A_12 : i32 to vector<16xi32>
      %add3A_263 = arith.addi %unique3A_261, %add3A_262 : vector<16xi32>
      %convert_element_type3A_264 = arith.sitofp %add3A_263 : vector<16xi32> to vector<16xf32>
      tpu.vector_store_idx %arg13[%get3A_257], %convert_element_type3A_264 masked %unique3A_260 {add = true} : memref<10240xf32, #tpu.memory_space<vmem>>[vector<16xi32>], vector<16xf32>, vector<16xi1>
      %get3A_265 = arith.constant 0 : i32
      %get3A_266 = tpu.memref_slice %arg10[%mul3A_194, %get3A_265] : memref<125x80xi32, #tpu.memory_space<vmem>> -> memref<1x80xi32, #tpu.memory_space<vmem>>
      %get3A_267 = tpu.memref_squeeze %get3A_266 : memref<1x80xi32, #tpu.memory_space<vmem>> -> memref<80xi32, #tpu.memory_space<vmem>>
      %get3A_268 = arith.constant 32 : index
      %get3A_269 = tpu.vector_load %get3A_267[%get3A_268] {strides = array<i32>} : memref<80xi32, #tpu.memory_space<vmem>>, vector<16xi32>,
      %broadcast_in_dim3A_270 = arith.constant true
      %broadcast_in_dim3A_271 = vector.broadcast %broadcast_in_dim3A_270 : i1 to vector<16xi1>
      %unique3A_272, %unique3A_273 = tpu.scan_count mask(%broadcast_in_dim3A_271 : vector<16xi1>) value(%get3A_269 : vector<16xi32>) : vector<16xi1>, vector<16xi32>
      %add3A_274 = vector.broadcast %sub3A_12 : i32 to vector<16xi32>
      %add3A_275 = arith.addi %unique3A_273, %add3A_274 : vector<16xi32>
      %convert_element_type3A_276 = arith.sitofp %add3A_275 : vector<16xi32> to vector<16xf32>
      tpu.vector_store_idx %arg13[%get3A_269], %convert_element_type3A_276 masked %unique3A_272 {add = true} : memref<10240xf32, #tpu.memory_space<vmem>>[vector<16xi32>], vector<16xf32>, vector<16xi1>
      %get3A_277 = arith.constant 0 : i32
      %get3A_278 = tpu.memref_slice %arg10[%mul3A_194, %get3A_277] : memref<125x80xi32, #tpu.memory_space<vmem>> -> memref<1x80xi32, #tpu.memory_space<vmem>>
      %get3A_279 = tpu.memref_squeeze %get3A_278 : memref<1x80xi32, #tpu.memory_space<vmem>> -> memref<80xi32, #tpu.memory_space<vmem>>
      %get3A_280 = arith.constant 48 : index
      %get3A_281 = tpu.vector_load %get3A_279[%get3A_280] {strides = array<i32>} : memref<80xi32, #tpu.memory_space<vmem>>, vector<16xi32>,
      %broadcast_in_dim3A_282 = arith.constant true
      %broadcast_in_dim3A_283 = vector.broadcast %broadcast_in_dim3A_282 : i1 to vector<16xi1>
      %unique3A_284, %unique3A_285 = tpu.scan_count mask(%broadcast_in_dim3A_283 : vector<16xi1>) value(%get3A_281 : vector<16xi32>) : vector<16xi1>, vector<16xi32>
      %add3A_286 = vector.broadcast %sub3A_12 : i32 to vector<16xi32>
      %add3A_287 = arith.addi %unique3A_285, %add3A_286 : vector<16xi32>
      %convert_element_type3A_288 = arith.sitofp %add3A_287 : vector<16xi32> to vector<16xf32>
      tpu.vector_store_idx %arg13[%get3A_281], %convert_element_type3A_288 masked %unique3A_284 {add = true} : memref<10240xf32, #tpu.memory_space<vmem>>[vector<16xi32>], vector<16xf32>, vector<16xi1>
      %get3A_289 = arith.constant 0 : i32
      %get3A_290 = tpu.memref_slice %arg10[%mul3A_194, %get3A_289] : memref<125x80xi32, #tpu.memory_space<vmem>> -> memref<1x80xi32, #tpu.memory_space<vmem>>
      %get3A_291 = tpu.memref_squeeze %get3A_290 : memref<1x80xi32, #tpu.memory_space<vmem>> -> memref<80xi32, #tpu.memory_space<vmem>>
      %get3A_292 = arith.constant 64 : index
      %get3A_293 = tpu.vector_load %get3A_291[%get3A_292] {strides = array<i32>} : memref<80xi32, #tpu.memory_space<vmem>>, vector<16xi32>,
      %broadcast_in_dim3A_294 = arith.constant true
      %broadcast_in_dim3A_295 = vector.broadcast %broadcast_in_dim3A_294 : i1 to vector<16xi1>
      %unique3A_296, %unique3A_297 = tpu.scan_count mask(%broadcast_in_dim3A_295 : vector<16xi1>) value(%get3A_293 : vector<16xi32>) : vector<16xi1>, vector<16xi32>
      %add3A_298 = vector.broadcast %sub3A_12 : i32 to vector<16xi32>
      %add3A_299 = arith.addi %unique3A_297, %add3A_298 : vector<16xi32>
      %convert_element_type3A_300 = arith.sitofp %add3A_299 : vector<16xi32> to vector<16xf32>
      tpu.vector_store_idx %arg13[%get3A_293], %convert_element_type3A_300 masked %unique3A_296 {add = true} : memref<10240xf32, #tpu.memory_space<vmem>>[vector<16xi32>], vector<16xf32>, vector<16xi1>
      %dma_wait3A_301 = arith.constant 0 : i32
      %dma_wait3A_302 = arith.constant 0 : i32
      %dma_wait3A_303 = arith.constant 0 : i32
      %dma_wait3A_304 = tpu.memref_slice %arg3[%add3A, %dma_wait3A_302, %dma_wait3A_303] : memref<32x125x80xi32, #tpu.memory_space<hbm>> -> memref<1x125x80xi32, #tpu.memory_space<hbm>>
      %dma_wait3A_305 = tpu.memref_squeeze %dma_wait3A_304 : memref<1x125x80xi32, #tpu.memory_space<hbm>> -> memref<125x80xi32, #tpu.memory_space<hbm>>
      %dma_wait3A_306 = arith.constant 0 : i32
      %dma_wait3A_307 = tpu.memref_slice %dma_wait3A_305[%dma_wait3A_301, %dma_wait3A_306] : memref<125x80xi32, #tpu.memory_space<hbm>> -> memref<1x80xi32, #tpu.memory_space<hbm>>
      %dma_wait3A_308 = tpu.memref_squeeze %dma_wait3A_307 : memref<1x80xi32, #tpu.memory_space<hbm>> -> memref<80xi32, #tpu.memory_space<hbm>>
      %dma_wait3A_309 = arith.constant 0 : i32
      %dma_wait3A_310 = arith.constant 0 : i32
      %dma_wait3A_311 = tpu.memref_slice %arg3[%add3A, %dma_wait3A_309, %dma_wait3A_310] : memref<32x125x80xi32, #tpu.memory_space<hbm>> -> memref<1x125x80xi32, #tpu.memory_space<hbm>>
      %dma_wait3A_312 = tpu.memref_squeeze %dma_wait3A_311 : memref<1x125x80xi32, #tpu.memory_space<hbm>> -> memref<125x80xi32, #tpu.memory_space<hbm>>
      %dma_wait3A_313 = arith.constant 0 : i32
      %dma_wait3A_314 = tpu.memref_slice %dma_wait3A_312[%dma_wait3A_301, %dma_wait3A_313] : memref<125x80xi32, #tpu.memory_space<hbm>> -> memref<1x80xi32, #tpu.memory_space<hbm>>
      %dma_wait3A_315 = tpu.memref_squeeze %dma_wait3A_314 : memref<1x80xi32, #tpu.memory_space<hbm>> -> memref<80xi32, #tpu.memory_space<hbm>>
      tpu.wait_dma2 semaphore(%arg17 : memref<!tpu.dma_semaphore, #tpu.memory_space<semaphore_mem>>) src(%dma_wait3A_315 : memref<80xi32, #tpu.memory_space<hbm>>) dst(%arg8 : memref<80xi32, #tpu.memory_space<vmem>>)
      %dma_wait3A_316 = arith.constant 0 : i32
      %dma_wait3A_317 = arith.constant 0 : i32
      %dma_wait3A_318 = tpu.memref_slice %arg5[%dma_wait3A_316, %dma_wait3A_317] : memref<10240x128xf32, #tpu.memory_space<hbm>> -> memref<80x128xf32, #tpu.memory_space<hbm>>
      %dma_wait3A_319 = arith.constant 0 : i32
      %dma_wait3A_320 = arith.constant 0 : i32
      %dma_wait3A_321 = tpu.memref_slice %arg5[%dma_wait3A_319, %dma_wait3A_320] : memref<10240x128xf32, #tpu.memory_space<hbm>> -> memref<80x128xf32, #tpu.memory_space<hbm>>
      tpu.wait_dma2 semaphore(%arg19 : memref<!tpu.dma_semaphore, #tpu.memory_space<semaphore_mem>>) src(%dma_wait3A_321 : memref<80x128xf32, #tpu.memory_space<hbm>>) dst(%arg11 : memref<80x128xf32, #tpu.memory_space<vmem>>)
      %dma_start3A_322 = arith.constant 0 : i32
      %dma_start3A_323 = arith.constant 0 : i32
      %dma_start3A_324 = tpu.memref_slice %arg11[%dma_start3A_322, %dma_start3A_323] : memref<80x128xf32, #tpu.memory_space<vmem>> -> memref<40x128xf32, #tpu.memory_space<vmem>>
      %dma_start3A_325 = arith.constant 0 : i32
      %dma_start3A_326 = tpu.memref_slice %arg8[%dma_start3A_325] : memref<80xi32, #tpu.memory_space<vmem>> -> memref<40xi32, #tpu.memory_space<vmem>>
      %dma_start3A_327 = arith.constant 0 : i32
      %dma_start3A_328 = arith.constant 0 : i32
      %dma_start3A_329 = tpu.memref_slice %arg2[%dma_start3A_327, %dma_start3A_328] : memref<10000x128xf32, #tpu.memory_space<hbm>> -> memref<10000x128xf32, #tpu.memory_space<hbm>>
      tpu.enqueue_indirect_dma source(%dma_start3A_329 : memref<10000x128xf32, #tpu.memory_space<hbm>>) target(%dma_start3A_324 : memref<40x128xf32, #tpu.memory_space<vmem>>) offsets(%dma_start3A_326 : memref<40xi32, #tpu.memory_space<vmem>>) semaphore(%arg15 : memref<!tpu.dma_semaphore, #tpu.memory_space<semaphore_mem>>)
      %dma_start3A_330 = arith.constant 40 : i32
      %dma_start3A_331 = arith.constant 0 : i32
      %dma_start3A_332 = tpu.memref_slice %arg11[%dma_start3A_330, %dma_start3A_331] : memref<80x128xf32, #tpu.memory_space<vmem>> -> memref<40x128xf32, #tpu.memory_space<vmem>>
      %dma_start3A_333 = arith.constant 40 : i32
      %dma_start3A_334 = tpu.memref_slice %arg8[%dma_start3A_333] : memref<80xi32, #tpu.memory_space<vmem>> -> memref<40xi32, #tpu.memory_space<vmem>>
      %dma_start3A_335 = arith.constant 0 : i32
      %dma_start3A_336 = arith.constant 0 : i32
      %dma_start3A_337 = tpu.memref_slice %arg2[%dma_start3A_335, %dma_start3A_336] : memref<10000x128xf32, #tpu.memory_space<hbm>> -> memref<10000x128xf32, #tpu.memory_space<hbm>>
      tpu.enqueue_indirect_dma source(%dma_start3A_337 : memref<10000x128xf32, #tpu.memory_space<hbm>>) target(%dma_start3A_332 : memref<40x128xf32, #tpu.memory_space<vmem>>) offsets(%dma_start3A_334 : memref<40xi32, #tpu.memory_space<vmem>>) semaphore(%arg15 : memref<!tpu.dma_semaphore, #tpu.memory_space<semaphore_mem>>)
      %dma_wait3A_338 = arith.constant 0 : i32
      %dma_wait3A_339 = arith.constant 0 : i32
      %dma_wait3A_340 = tpu.memref_slice %arg5[%dma_wait3A_338, %dma_wait3A_339] : memref<10240x128xf32, #tpu.memory_space<hbm>> -> memref<80x128xf32, #tpu.memory_space<hbm>>
      %dma_wait3A_341 = arith.constant 0 : i32
      %dma_wait3A_342 = arith.constant 0 : i32
      %dma_wait3A_343 = tpu.memref_slice %arg5[%dma_wait3A_341, %dma_wait3A_342] : memref<10240x128xf32, #tpu.memory_space<hbm>> -> memref<80x128xf32, #tpu.memory_space<hbm>>
      tpu.wait_dma2 semaphore(%arg16 : memref<!tpu.dma_semaphore, #tpu.memory_space<semaphore_mem>>) src(%dma_wait3A_343 : memref<80x128xf32, #tpu.memory_space<hbm>>) dst(%arg12 : memref<80x128xf32, #tpu.memory_space<vmem>>)
      %add3A_344 = arith.constant 3 : i32
      %add3A_345 = arith.addi %mul3A_194, %add3A_344 : i32
      %min3A_346 = arith.constant 124 : i32
      %min3A_347 = arith.minsi %add3A_345, %min3A_346 : i32
      %dma_start3A_348 = arith.constant 0 : i32
      %dma_start3A_349 = arith.constant 0 : i32
      %dma_start3A_350 = tpu.memref_slice %arg3[%add3A, %dma_start3A_348, %dma_start3A_349] : memref<32x125x80xi32, #tpu.memory_space<hbm>> -> memref<1x125x80xi32, #tpu.memory_space<hbm>>
      %dma_start3A_351 = tpu.memref_squeeze %dma_start3A_350 : memref<1x125x80xi32, #tpu.memory_space<hbm>> -> memref<125x80xi32, #tpu.memory_space<hbm>>
      %dma_start3A_352 = arith.constant 0 : i32
      %dma_start3A_353 = tpu.memref_slice %dma_start3A_351[%min3A_347, %dma_start3A_352] : memref<125x80xi32, #tpu.memory_space<hbm>> -> memref<1x80xi32, #tpu.memory_space<hbm>>
      %dma_start3A_354 = tpu.memref_squeeze %dma_start3A_353 : memref<1x80xi32, #tpu.memory_space<hbm>> -> memref<80xi32, #tpu.memory_space<hbm>>
      %dma_start3A_355 = arith.constant 0 : i32
      %dma_start3A_356 = arith.constant 0 : i32
      %dma_start3A_357 = tpu.memref_slice %arg3[%add3A, %dma_start3A_355, %dma_start3A_356] : memref<32x125x80xi32, #tpu.memory_space<hbm>> -> memref<1x125x80xi32, #tpu.memory_space<hbm>>
      %dma_start3A_358 = tpu.memref_squeeze %dma_start3A_357 : memref<1x125x80xi32, #tpu.memory_space<hbm>> -> memref<125x80xi32, #tpu.memory_space<hbm>>
      %dma_start3A_359 = arith.constant 0 : i32
      %dma_start3A_360 = tpu.memref_slice %dma_start3A_358[%min3A_347, %dma_start3A_359] : memref<125x80xi32, #tpu.memory_space<hbm>> -> memref<1x80xi32, #tpu.memory_space<hbm>>
      %dma_start3A_361 = tpu.memref_squeeze %dma_start3A_360 : memref<1x80xi32, #tpu.memory_space<hbm>> -> memref<80xi32, #tpu.memory_space<hbm>>
      tpu.enqueue_dma source(%dma_start3A_361 : memref<80xi32, #tpu.memory_space<hbm>>) target(%arg9 : memref<80xi32, #tpu.memory_space<vmem>>) target_semaphore(%arg18 : memref<!tpu.dma_semaphore, #tpu.memory_space<semaphore_mem>>)
      %add3A_362 = arith.constant 1 : i32
      %add3A_363 = arith.addi %mul3A_194, %add3A_362 : i32
      %dma_start3A_364 = arith.constant 0 : i32
      %dma_start3A_365 = tpu.memref_slice %arg10[%add3A_363, %dma_start3A_364] : memref<125x80xi32, #tpu.memory_space<vmem>> -> memref<1x80xi32, #tpu.memory_space<vmem>>
      %dma_start3A_366 = tpu.memref_squeeze %dma_start3A_365 : memref<1x80xi32, #tpu.memory_space<vmem>> -> memref<80xi32, #tpu.memory_space<vmem>>
      %dma_start3A_367 = arith.constant 0 : i32
      %dma_start3A_368 = arith.constant 0 : i32
      %dma_start3A_369 = tpu.memref_slice %arg14[%dma_start3A_367, %dma_start3A_368] : memref<10240x128xf32, #tpu.memory_space<vmem_shared>> -> memref<10240x128xf32, #tpu.memory_space<vmem_shared>>
      tpu.enqueue_indirect_dma source(%arg12 : memref<80x128xf32, #tpu.memory_space<vmem>>) target(%dma_start3A_369 : memref<10240x128xf32, #tpu.memory_space<vmem_shared>>) offsets(%dma_start3A_366 : memref<80xi32, #tpu.memory_space<vmem>>) semaphore(%arg20 : memref<!tpu.dma_semaphore, #tpu.memory_space<semaphore_mem>>) {add = true}
      %add3A_370 = arith.constant 1 : i32
      %add3A_371 = arith.addi %mul3A_194, %add3A_370 : i32
      %get3A_372 = arith.constant 0 : i32
      %get3A_373 = tpu.memref_slice %arg10[%add3A_371, %get3A_372] : memref<125x80xi32, #tpu.memory_space<vmem>> -> memref<1x80xi32, #tpu.memory_space<vmem>>
      %get3A_374 = tpu.memref_squeeze %get3A_373 : memref<1x80xi32, #tpu.memory_space<vmem>> -> memref<80xi32, #tpu.memory_space<vmem>>
      %get3A_375 = arith.constant 0 : index
      %get3A_376 = tpu.vector_load %get3A_374[%get3A_375] {strides = array<i32>} : memref<80xi32, #tpu.memory_space<vmem>>, vector<16xi32>,
      %broadcast_in_dim3A_377 = arith.constant true
      %broadcast_in_dim3A_378 = vector.broadcast %broadcast_in_dim3A_377 : i1 to vector<16xi1>
      %unique3A_379, %unique3A_380 = tpu.scan_count mask(%broadcast_in_dim3A_378 : vector<16xi1>) value(%get3A_376 : vector<16xi32>) : vector<16xi1>, vector<16xi32>
      %add3A_381 = vector.broadcast %sub3A_12 : i32 to vector<16xi32>
      %add3A_382 = arith.addi %unique3A_380, %add3A_381 : vector<16xi32>
      %convert_element_type3A_383 = arith.sitofp %add3A_382 : vector<16xi32> to vector<16xf32>
      tpu.vector_store_idx %arg13[%get3A_376], %convert_element_type3A_383 masked %unique3A_379 {add = true} : memref<10240xf32, #tpu.memory_space<vmem>>[vector<16xi32>], vector<16xf32>, vector<16xi1>
      %get3A_384 = arith.constant 0 : i32
      %get3A_385 = tpu.memref_slice %arg10[%add3A_371, %get3A_384] : memref<125x80xi32, #tpu.memory_space<vmem>> -> memref<1x80xi32, #tpu.memory_space<vmem>>
      %get3A_386 = tpu.memref_squeeze %get3A_385 : memref<1x80xi32, #tpu.memory_space<vmem>> -> memref<80xi32, #tpu.memory_space<vmem>>
      %get3A_387 = arith.constant 16 : index
      %get3A_388 = tpu.vector_load %get3A_386[%get3A_387] {strides = array<i32>} : memref<80xi32, #tpu.memory_space<vmem>>, vector<16xi32>,
      %broadcast_in_dim3A_389 = arith.constant true
      %broadcast_in_dim3A_390 = vector.broadcast %broadcast_in_dim3A_389 : i1 to vector<16xi1>
      %unique3A_391, %unique3A_392 = tpu.scan_count mask(%broadcast_in_dim3A_390 : vector<16xi1>) value(%get3A_388 : vector<16xi32>) : vector<16xi1>, vector<16xi32>
      %add3A_393 = vector.broadcast %sub3A_12 : i32 to vector<16xi32>
      %add3A_394 = arith.addi %unique3A_392, %add3A_393 : vector<16xi32>
      %convert_element_type3A_395 = arith.sitofp %add3A_394 : vector<16xi32> to vector<16xf32>
      tpu.vector_store_idx %arg13[%get3A_388], %convert_element_type3A_395 masked %unique3A_391 {add = true} : memref<10240xf32, #tpu.memory_space<vmem>>[vector<16xi32>], vector<16xf32>, vector<16xi1>
      %get3A_396 = arith.constant 0 : i32
      %get3A_397 = tpu.memref_slice %arg10[%add3A_371, %get3A_396] : memref<125x80xi32, #tpu.memory_space<vmem>> -> memref<1x80xi32, #tpu.memory_space<vmem>>
      %get3A_398 = tpu.memref_squeeze %get3A_397 : memref<1x80xi32, #tpu.memory_space<vmem>> -> memref<80xi32, #tpu.memory_space<vmem>>
      %get3A_399 = arith.constant 32 : index
      %get3A_400 = tpu.vector_load %get3A_398[%get3A_399] {strides = array<i32>} : memref<80xi32, #tpu.memory_space<vmem>>, vector<16xi32>,
      %broadcast_in_dim3A_401 = arith.constant true
      %broadcast_in_dim3A_402 = vector.broadcast %broadcast_in_dim3A_401 : i1 to vector<16xi1>
      %unique3A_403, %unique3A_404 = tpu.scan_count mask(%broadcast_in_dim3A_402 : vector<16xi1>) value(%get3A_400 : vector<16xi32>) : vector<16xi1>, vector<16xi32>
      %add3A_405 = vector.broadcast %sub3A_12 : i32 to vector<16xi32>
      %add3A_406 = arith.addi %unique3A_404, %add3A_405 : vector<16xi32>
      %convert_element_type3A_407 = arith.sitofp %add3A_406 : vector<16xi32> to vector<16xf32>
      tpu.vector_store_idx %arg13[%get3A_400], %convert_element_type3A_407 masked %unique3A_403 {add = true} : memref<10240xf32, #tpu.memory_space<vmem>>[vector<16xi32>], vector<16xf32>, vector<16xi1>
      %get3A_408 = arith.constant 0 : i32
      %get3A_409 = tpu.memref_slice %arg10[%add3A_371, %get3A_408] : memref<125x80xi32, #tpu.memory_space<vmem>> -> memref<1x80xi32, #tpu.memory_space<vmem>>
      %get3A_410 = tpu.memref_squeeze %get3A_409 : memref<1x80xi32, #tpu.memory_space<vmem>> -> memref<80xi32, #tpu.memory_space<vmem>>
      %get3A_411 = arith.constant 48 : index
      %get3A_412 = tpu.vector_load %get3A_410[%get3A_411] {strides = array<i32>} : memref<80xi32, #tpu.memory_space<vmem>>, vector<16xi32>,
      %broadcast_in_dim3A_413 = arith.constant true
      %broadcast_in_dim3A_414 = vector.broadcast %broadcast_in_dim3A_413 : i1 to vector<16xi1>
      %unique3A_415, %unique3A_416 = tpu.scan_count mask(%broadcast_in_dim3A_414 : vector<16xi1>) value(%get3A_412 : vector<16xi32>) : vector<16xi1>, vector<16xi32>
      %add3A_417 = vector.broadcast %sub3A_12 : i32 to vector<16xi32>
      %add3A_418 = arith.addi %unique3A_416, %add3A_417 : vector<16xi32>
      %convert_element_type3A_419 = arith.sitofp %add3A_418 : vector<16xi32> to vector<16xf32>
      tpu.vector_store_idx %arg13[%get3A_412], %convert_element_type3A_419 masked %unique3A_415 {add = true} : memref<10240xf32, #tpu.memory_space<vmem>>[vector<16xi32>], vector<16xf32>, vector<16xi1>
      %get3A_420 = arith.constant 0 : i32
      %get3A_421 = tpu.memref_slice %arg10[%add3A_371, %get3A_420] : memref<125x80xi32, #tpu.memory_space<vmem>> -> memref<1x80xi32, #tpu.memory_space<vmem>>
      %get3A_422 = tpu.memref_squeeze %get3A_421 : memref<1x80xi32, #tpu.memory_space<vmem>> -> memref<80xi32, #tpu.memory_space<vmem>>
      %get3A_423 = arith.constant 64 : index
      %get3A_424 = tpu.vector_load %get3A_422[%get3A_423] {strides = array<i32>} : memref<80xi32, #tpu.memory_space<vmem>>, vector<16xi32>,
      %broadcast_in_dim3A_425 = arith.constant true
      %broadcast_in_dim3A_426 = vector.broadcast %broadcast_in_dim3A_425 : i1 to vector<16xi1>
      %unique3A_427, %unique3A_428 = tpu.scan_count mask(%broadcast_in_dim3A_426 : vector<16xi1>) value(%get3A_424 : vector<16xi32>) : vector<16xi1>, vector<16xi32>
      %add3A_429 = vector.broadcast %sub3A_12 : i32 to vector<16xi32>
      %add3A_430 = arith.addi %unique3A_428, %add3A_429 : vector<16xi32>
      %convert_element_type3A_431 = arith.sitofp %add3A_430 : vector<16xi32> to vector<16xf32>
      tpu.vector_store_idx %arg13[%get3A_424], %convert_element_type3A_431 masked %unique3A_427 {add = true} : memref<10240xf32, #tpu.memory_space<vmem>>[vector<16xi32>], vector<16xf32>, vector<16xi1>
      %dma_wait3A_432 = arith.constant 0 : i32
      %dma_wait3A_433 = arith.constant 0 : i32
      %dma_wait3A_434 = arith.constant 0 : i32
      %dma_wait3A_435 = tpu.memref_slice %arg3[%add3A, %dma_wait3A_433, %dma_wait3A_434] : memref<32x125x80xi32, #tpu.memory_space<hbm>> -> memref<1x125x80xi32, #tpu.memory_space<hbm>>
      %dma_wait3A_436 = tpu.memref_squeeze %dma_wait3A_435 : memref<1x125x80xi32, #tpu.memory_space<hbm>> -> memref<125x80xi32, #tpu.memory_space<hbm>>
      %dma_wait3A_437 = arith.constant 0 : i32
      %dma_wait3A_438 = tpu.memref_slice %dma_wait3A_436[%dma_wait3A_432, %dma_wait3A_437] : memref<125x80xi32, #tpu.memory_space<hbm>> -> memref<1x80xi32, #tpu.memory_space<hbm>>
      %dma_wait3A_439 = tpu.memref_squeeze %dma_wait3A_438 : memref<1x80xi32, #tpu.memory_space<hbm>> -> memref<80xi32, #tpu.memory_space<hbm>>
      %dma_wait3A_440 = arith.constant 0 : i32
      %dma_wait3A_441 = arith.constant 0 : i32
      %dma_wait3A_442 = tpu.memref_slice %arg3[%add3A, %dma_wait3A_440, %dma_wait3A_441] : memref<32x125x80xi32, #tpu.memory_space<hbm>> -> memref<1x125x80xi32, #tpu.memory_space<hbm>>
      %dma_wait3A_443 = tpu.memref_squeeze %dma_wait3A_442 : memref<1x125x80xi32, #tpu.memory_space<hbm>> -> memref<125x80xi32, #tpu.memory_space<hbm>>
      %dma_wait3A_444 = arith.constant 0 : i32
      %dma_wait3A_445 = tpu.memref_slice %dma_wait3A_443[%dma_wait3A_432, %dma_wait3A_444] : memref<125x80xi32, #tpu.memory_space<hbm>> -> memref<1x80xi32, #tpu.memory_space<hbm>>
      %dma_wait3A_446 = tpu.memref_squeeze %dma_wait3A_445 : memref<1x80xi32, #tpu.memory_space<hbm>> -> memref<80xi32, #tpu.memory_space<hbm>>
      tpu.wait_dma2 semaphore(%arg18 : memref<!tpu.dma_semaphore, #tpu.memory_space<semaphore_mem>>) src(%dma_wait3A_446 : memref<80xi32, #tpu.memory_space<hbm>>) dst(%arg9 : memref<80xi32, #tpu.memory_space<vmem>>)
      %dma_wait3A_447 = arith.constant 0 : i32
      %dma_wait3A_448 = arith.constant 0 : i32
      %dma_wait3A_449 = tpu.memref_slice %arg5[%dma_wait3A_447, %dma_wait3A_448] : memref<10240x128xf32, #tpu.memory_space<hbm>> -> memref<80x128xf32, #tpu.memory_space<hbm>>
      %dma_wait3A_450 = arith.constant 0 : i32
      %dma_wait3A_451 = arith.constant 0 : i32
      %dma_wait3A_452 = tpu.memref_slice %arg5[%dma_wait3A_450, %dma_wait3A_451] : memref<10240x128xf32, #tpu.memory_space<hbm>> -> memref<80x128xf32, #tpu.memory_space<hbm>>
      tpu.wait_dma2 semaphore(%arg20 : memref<!tpu.dma_semaphore, #tpu.memory_space<semaphore_mem>>) src(%dma_wait3A_452 : memref<80x128xf32, #tpu.memory_space<hbm>>) dst(%arg12 : memref<80x128xf32, #tpu.memory_space<vmem>>)
    }
    %scan3A_104 = arith.constant 62 : i32
    %dma_wait3A_105 = arith.constant 0 : i32
    %dma_wait3A_106 = arith.constant 0 : i32
    %dma_wait3A_107 = tpu.memref_slice %arg5[%dma_wait3A_105, %dma_wait3A_106] : memref<10240x128xf32, #tpu.memory_space<hbm>> -> memref<80x128xf32, #tpu.memory_space<hbm>>
    %dma_wait3A_108 = arith.constant 0 : i32
    %dma_wait3A_109 = arith.constant 0 : i32
    %dma_wait3A_110 = tpu.memref_slice %arg5[%dma_wait3A_108, %dma_wait3A_109] : memref<10240x128xf32, #tpu.memory_space<hbm>> -> memref<80x128xf32, #tpu.memory_space<hbm>>
    tpu.wait_dma2 semaphore(%arg15 : memref<!tpu.dma_semaphore, #tpu.memory_space<semaphore_mem>>) src(%dma_wait3A_110 : memref<80x128xf32, #tpu.memory_space<hbm>>) dst(%arg11 : memref<80x128xf32, #tpu.memory_space<vmem>>)
    %dma_start3A_111 = arith.constant 124 : i32
    %dma_start3A_112 = arith.constant 0 : i32
    %dma_start3A_113 = tpu.memref_slice %arg10[%dma_start3A_111, %dma_start3A_112] : memref<125x80xi32, #tpu.memory_space<vmem>> -> memref<1x80xi32, #tpu.memory_space<vmem>>
    %dma_start3A_114 = tpu.memref_squeeze %dma_start3A_113 : memref<1x80xi32, #tpu.memory_space<vmem>> -> memref<80xi32, #tpu.memory_space<vmem>>
    %dma_start3A_115 = arith.constant 0 : i32
    %dma_start3A_116 = arith.constant 0 : i32
    %dma_start3A_117 = tpu.memref_slice %arg14[%dma_start3A_115, %dma_start3A_116] : memref<10240x128xf32, #tpu.memory_space<vmem_shared>> -> memref<10240x128xf32, #tpu.memory_space<vmem_shared>>
    tpu.enqueue_indirect_dma source(%arg11 : memref<80x128xf32, #tpu.memory_space<vmem>>) target(%dma_start3A_117 : memref<10240x128xf32, #tpu.memory_space<vmem_shared>>) offsets(%dma_start3A_114 : memref<80xi32, #tpu.memory_space<vmem>>) semaphore(%arg19 : memref<!tpu.dma_semaphore, #tpu.memory_space<semaphore_mem>>) {add = true}
    %get3A = arith.constant 124 : i32
    %get3A_118 = arith.constant 0 : i32
    %get3A_119 = tpu.memref_slice %arg10[%get3A, %get3A_118] : memref<125x80xi32, #tpu.memory_space<vmem>> -> memref<1x80xi32, #tpu.memory_space<vmem>>
    %get3A_120 = tpu.memref_squeeze %get3A_119 : memref<1x80xi32, #tpu.memory_space<vmem>> -> memref<80xi32, #tpu.memory_space<vmem>>
    %get3A_121 = arith.constant 0 : index
    %get3A_122 = tpu.vector_load %get3A_120[%get3A_121] {strides = array<i32>} : memref<80xi32, #tpu.memory_space<vmem>>, vector<16xi32>,
    %broadcast_in_dim3A_123 = arith.constant true
    %broadcast_in_dim3A_124 = vector.broadcast %broadcast_in_dim3A_123 : i1 to vector<16xi1>
    %unique3A_125, %unique3A_126 = tpu.scan_count mask(%broadcast_in_dim3A_124 : vector<16xi1>) value(%get3A_122 : vector<16xi32>) : vector<16xi1>, vector<16xi32>
    %add3A_127 = vector.broadcast %sub3A_12 : i32 to vector<16xi32>
    %add3A_128 = arith.addi %unique3A_126, %add3A_127 : vector<16xi32>
    %convert_element_type3A = arith.sitofp %add3A_128 : vector<16xi32> to vector<16xf32>
    tpu.vector_store_idx %arg13[%get3A_122], %convert_element_type3A masked %unique3A_125 {add = true} : memref<10240xf32, #tpu.memory_space<vmem>>[vector<16xi32>], vector<16xf32>, vector<16xi1>
    %get3A_129 = arith.constant 124 : i32
    %get3A_130 = arith.constant 0 : i32
    %get3A_131 = tpu.memref_slice %arg10[%get3A_129, %get3A_130] : memref<125x80xi32, #tpu.memory_space<vmem>> -> memref<1x80xi32, #tpu.memory_space<vmem>>
    %get3A_132 = tpu.memref_squeeze %get3A_131 : memref<1x80xi32, #tpu.memory_space<vmem>> -> memref<80xi32, #tpu.memory_space<vmem>>
    %get3A_133 = arith.constant 16 : index
    %get3A_134 = tpu.vector_load %get3A_132[%get3A_133] {strides = array<i32>} : memref<80xi32, #tpu.memory_space<vmem>>, vector<16xi32>,
    %broadcast_in_dim3A_135 = arith.constant true
    %broadcast_in_dim3A_136 = vector.broadcast %broadcast_in_dim3A_135 : i1 to vector<16xi1>
    %unique3A_137, %unique3A_138 = tpu.scan_count mask(%broadcast_in_dim3A_136 : vector<16xi1>) value(%get3A_134 : vector<16xi32>) : vector<16xi1>, vector<16xi32>
    %add3A_139 = vector.broadcast %sub3A_12 : i32 to vector<16xi32>
    %add3A_140 = arith.addi %unique3A_138, %add3A_139 : vector<16xi32>
    %convert_element_type3A_141 = arith.sitofp %add3A_140 : vector<16xi32> to vector<16xf32>
    tpu.vector_store_idx %arg13[%get3A_134], %convert_element_type3A_141 masked %unique3A_137 {add = true} : memref<10240xf32, #tpu.memory_space<vmem>>[vector<16xi32>], vector<16xf32>, vector<16xi1>
    %get3A_142 = arith.constant 124 : i32
    %get3A_143 = arith.constant 0 : i32
    %get3A_144 = tpu.memref_slice %arg10[%get3A_142, %get3A_143] : memref<125x80xi32, #tpu.memory_space<vmem>> -> memref<1x80xi32, #tpu.memory_space<vmem>>
    %get3A_145 = tpu.memref_squeeze %get3A_144 : memref<1x80xi32, #tpu.memory_space<vmem>> -> memref<80xi32, #tpu.memory_space<vmem>>
    %get3A_146 = arith.constant 32 : index
    %get3A_147 = tpu.vector_load %get3A_145[%get3A_146] {strides = array<i32>} : memref<80xi32, #tpu.memory_space<vmem>>, vector<16xi32>,
    %broadcast_in_dim3A_148 = arith.constant true
    %broadcast_in_dim3A_149 = vector.broadcast %broadcast_in_dim3A_148 : i1 to vector<16xi1>
    %unique3A_150, %unique3A_151 = tpu.scan_count mask(%broadcast_in_dim3A_149 : vector<16xi1>) value(%get3A_147 : vector<16xi32>) : vector<16xi1>, vector<16xi32>
    %add3A_152 = vector.broadcast %sub3A_12 : i32 to vector<16xi32>
    %add3A_153 = arith.addi %unique3A_151, %add3A_152 : vector<16xi32>
    %convert_element_type3A_154 = arith.sitofp %add3A_153 : vector<16xi32> to vector<16xf32>
    tpu.vector_store_idx %arg13[%get3A_147], %convert_element_type3A_154 masked %unique3A_150 {add = true} : memref<10240xf32, #tpu.memory_space<vmem>>[vector<16xi32>], vector<16xf32>, vector<16xi1>
    %get3A_155 = arith.constant 124 : i32
    %get3A_156 = arith.constant 0 : i32
    %get3A_157 = tpu.memref_slice %arg10[%get3A_155, %get3A_156] : memref<125x80xi32, #tpu.memory_space<vmem>> -> memref<1x80xi32, #tpu.memory_space<vmem>>
    %get3A_158 = tpu.memref_squeeze %get3A_157 : memref<1x80xi32, #tpu.memory_space<vmem>> -> memref<80xi32, #tpu.memory_space<vmem>>
    %get3A_159 = arith.constant 48 : index
    %get3A_160 = tpu.vector_load %get3A_158[%get3A_159] {strides = array<i32>} : memref<80xi32, #tpu.memory_space<vmem>>, vector<16xi32>,
    %broadcast_in_dim3A_161 = arith.constant true
    %broadcast_in_dim3A_162 = vector.broadcast %broadcast_in_dim3A_161 : i1 to vector<16xi1>
    %unique3A_163, %unique3A_164 = tpu.scan_count mask(%broadcast_in_dim3A_162 : vector<16xi1>) value(%get3A_160 : vector<16xi32>) : vector<16xi1>, vector<16xi32>
    %add3A_165 = vector.broadcast %sub3A_12 : i32 to vector<16xi32>
    %add3A_166 = arith.addi %unique3A_164, %add3A_165 : vector<16xi32>
    %convert_element_type3A_167 = arith.sitofp %add3A_166 : vector<16xi32> to vector<16xf32>
    tpu.vector_store_idx %arg13[%get3A_160], %convert_element_type3A_167 masked %unique3A_163 {add = true} : memref<10240xf32, #tpu.memory_space<vmem>>[vector<16xi32>], vector<16xf32>, vector<16xi1>
    %get3A_168 = arith.constant 124 : i32
    %get3A_169 = arith.constant 0 : i32
    %get3A_170 = tpu.memref_slice %arg10[%get3A_168, %get3A_169] : memref<125x80xi32, #tpu.memory_space<vmem>> -> memref<1x80xi32, #tpu.memory_space<vmem>>
    %get3A_171 = tpu.memref_squeeze %get3A_170 : memref<1x80xi32, #tpu.memory_space<vmem>> -> memref<80xi32, #tpu.memory_space<vmem>>
    %get3A_172 = arith.constant 64 : index
    %get3A_173 = tpu.vector_load %get3A_171[%get3A_172] {strides = array<i32>} : memref<80xi32, #tpu.memory_space<vmem>>, vector<16xi32>,
    %broadcast_in_dim3A_174 = arith.constant true
    %broadcast_in_dim3A_175 = vector.broadcast %broadcast_in_dim3A_174 : i1 to vector<16xi1>
    %unique3A_176, %unique3A_177 = tpu.scan_count mask(%broadcast_in_dim3A_175 : vector<16xi1>) value(%get3A_173 : vector<16xi32>) : vector<16xi1>, vector<16xi32>
    %add3A_178 = vector.broadcast %sub3A_12 : i32 to vector<16xi32>
    %add3A_179 = arith.addi %unique3A_177, %add3A_178 : vector<16xi32>
    %convert_element_type3A_180 = arith.sitofp %add3A_179 : vector<16xi32> to vector<16xf32>
    tpu.vector_store_idx %arg13[%get3A_173], %convert_element_type3A_180 masked %unique3A_176 {add = true} : memref<10240xf32, #tpu.memory_space<vmem>>[vector<16xi32>], vector<16xf32>, vector<16xi1>
    %dma_wait3A_181 = arith.constant 0 : i32
    %dma_wait3A_182 = arith.constant 0 : i32
    %dma_wait3A_183 = tpu.memref_slice %arg5[%dma_wait3A_181, %dma_wait3A_182] : memref<10240x128xf32, #tpu.memory_space<hbm>> -> memref<80x128xf32, #tpu.memory_space<hbm>>
    %dma_wait3A_184 = arith.constant 0 : i32
    %dma_wait3A_185 = arith.constant 0 : i32
    %dma_wait3A_186 = tpu.memref_slice %arg5[%dma_wait3A_184, %dma_wait3A_185] : memref<10240x128xf32, #tpu.memory_space<hbm>> -> memref<80x128xf32, #tpu.memory_space<hbm>>
    tpu.wait_dma2 semaphore(%arg19 : memref<!tpu.dma_semaphore, #tpu.memory_space<semaphore_mem>>) src(%dma_wait3A_186 : memref<80x128xf32, #tpu.memory_space<hbm>>) dst(%arg11 : memref<80x128xf32, #tpu.memory_space<vmem>>)
    %barrier3A_187 = arith.constant 0 : index
    tpu.barrier barrier_id(%barrier3A_187)
    %mul3A_188 = arith.constant 640 : i32
    %mul3A_189 = arith.muli %arg1, %mul3A_188 : i32
    %mul3A_190 = arith.constant 640 : i32
    %mul3A_191 = arith.muli %arg1, %mul3A_190 : i32
    "tpu.region"() ({
      %run_scoped3A_192 = tpu.sem_alloc : memref<!tpu.dma_semaphore, #tpu.memory_space<semaphore_mem>>
      %dma_start3A_193 = arith.constant 0 : i32
      %dma_start3A_194 = arith.constant 0 : i32
      %dma_start3A_195 = tpu.memref_slice %arg6[%arg0, %dma_start3A_193, %dma_start3A_194] : memref<2x10240x128xf32, #tpu.memory_space<hbm>> -> memref<1x10240x128xf32, #tpu.memory_space<hbm>>
      %dma_start3A_196 = tpu.memref_squeeze %dma_start3A_195 : memref<1x10240x128xf32, #tpu.memory_space<hbm>> -> memref<10240x128xf32, #tpu.memory_space<hbm>>
      %dma_start3A_197 = arith.constant 0 : i32
      %dma_start3A_198 = tpu.memref_slice %dma_start3A_196[%mul3A_191, %dma_start3A_197] : memref<10240x128xf32, #tpu.memory_space<hbm>> -> memref<640x128xf32, #tpu.memory_space<hbm>>
      %dma_start3A_199 = arith.constant 0 : i32
      %dma_start3A_200 = tpu.memref_slice %arg14[%mul3A_189, %dma_start3A_199] : memref<10240x128xf32, #tpu.memory_space<vmem_shared>> -> memref<640x128xf32, #tpu.memory_space<vmem_shared>>
      tpu.enqueue_dma source(%dma_start3A_200 : memref<640x128xf32, #tpu.memory_space<vmem_shared>>) target(%dma_start3A_198 : memref<640x128xf32, #tpu.memory_space<hbm>>) target_semaphore(%run_scoped3A_192 : memref<!tpu.dma_semaphore, #tpu.memory_space<semaphore_mem>>)
      %dma_wait3A_201 = arith.constant 0 : i32
      %dma_wait3A_202 = arith.constant 0 : i32
      %dma_wait3A_203 = tpu.memref_slice %arg6[%arg0, %dma_wait3A_201, %dma_wait3A_202] : memref<2x10240x128xf32, #tpu.memory_space<hbm>> -> memref<1x10240x128xf32, #tpu.memory_space<hbm>>
      %dma_wait3A_204 = tpu.memref_squeeze %dma_wait3A_203 : memref<1x10240x128xf32, #tpu.memory_space<hbm>> -> memref<10240x128xf32, #tpu.memory_space<hbm>>
      %dma_wait3A_205 = arith.constant 0 : i32
      %dma_wait3A_206 = tpu.memref_slice %dma_wait3A_204[%mul3A_191, %dma_wait3A_205] : memref<10240x128xf32, #tpu.memory_space<hbm>> -> memref<640x128xf32, #tpu.memory_space<hbm>>
      %dma_wait3A_207 = arith.constant 0 : i32
      %dma_wait3A_208 = tpu.memref_slice %arg14[%mul3A_189, %dma_wait3A_207] : memref<10240x128xf32, #tpu.memory_space<vmem_shared>> -> memref<640x128xf32, #tpu.memory_space<vmem_shared>>
      tpu.wait_dma2 semaphore(%run_scoped3A_192 : memref<!tpu.dma_semaphore, #tpu.memory_space<semaphore_mem>>) src(%dma_wait3A_208 : memref<640x128xf32, #tpu.memory_space<vmem_shared>>) dst(%dma_wait3A_206 : memref<640x128xf32, #tpu.memory_space<hbm>>)
      tpu.yield
    }) : () -> ()
    %run_scoped3A = arith.constant 0 : i32
    "tpu.region"() ({
      %run_scoped3A_192 = tpu.sem_alloc : memref<!tpu.dma_semaphore, #tpu.memory_space<semaphore_mem>>
      %dma_start3A_193 = arith.constant 0 : i32
      %dma_start3A_194 = tpu.memref_slice %arg7[%add3A, %run_scoped3A, %dma_start3A_193] : memref<32x1x10240xf32, #tpu.memory_space<hbm>> -> memref<1x1x10240xf32, #tpu.memory_space<hbm>>
      %dma_start3A_195 = tpu.memref_squeeze %dma_start3A_194 : memref<1x1x10240xf32, #tpu.memory_space<hbm>> -> memref<10240xf32, #tpu.memory_space<hbm>>
      %dma_start3A_196 = arith.constant 0 : i32
      %dma_start3A_197 = tpu.memref_slice %arg7[%add3A, %run_scoped3A, %dma_start3A_196] : memref<32x1x10240xf32, #tpu.memory_space<hbm>> -> memref<1x1x10240xf32, #tpu.memory_space<hbm>>
      %dma_start3A_198 = tpu.memref_squeeze %dma_start3A_197 : memref<1x1x10240xf32, #tpu.memory_space<hbm>> -> memref<10240xf32, #tpu.memory_space<hbm>>
      tpu.enqueue_dma source(%arg13 : memref<10240xf32, #tpu.memory_space<vmem>>) target(%dma_start3A_198 : memref<10240xf32, #tpu.memory_space<hbm>>) target_semaphore(%run_scoped3A_192 : memref<!tpu.dma_semaphore, #tpu.memory_space<semaphore_mem>>)
      %dma_wait3A_199 = arith.constant 0 : i32
      %dma_wait3A_200 = tpu.memref_slice %arg7[%add3A, %run_scoped3A, %dma_wait3A_199] : memref<32x1x10240xf32, #tpu.memory_space<hbm>> -> memref<1x1x10240xf32, #tpu.memory_space<hbm>>
      %dma_wait3A_201 = tpu.memref_squeeze %dma_wait3A_200 : memref<1x1x10240xf32, #tpu.memory_space<hbm>> -> memref<10240xf32, #tpu.memory_space<hbm>>
      %dma_wait3A_202 = arith.constant 0 : i32
      %dma_wait3A_203 = tpu.memref_slice %arg7[%add3A, %run_scoped3A, %dma_wait3A_202] : memref<32x1x10240xf32, #tpu.memory_space<hbm>> -> memref<1x1x10240xf32, #tpu.memory_space<hbm>>
      %dma_wait3A_204 = tpu.memref_squeeze %dma_wait3A_203 : memref<1x1x10240xf32, #tpu.memory_space<hbm>> -> memref<10240xf32, #tpu.memory_space<hbm>>
      tpu.wait_dma2 semaphore(%run_scoped3A_192 : memref<!tpu.dma_semaphore, #tpu.memory_space<semaphore_mem>>) src(%arg13 : memref<10240xf32, #tpu.memory_space<vmem>>) dst(%dma_wait3A_204 : memref<10240xf32, #tpu.memory_space<hbm>>)
      tpu.yield
    }) : () -> ()
    return
  }
}

module attributes {stable_mosaic.version = 14 : i64} {
  func.func @_mm_body(%arg0: i32, %arg1: memref<1000x128xf32, #tpu.memory_space<vmem>>, %arg2: memref<1000x3xf32, #tpu.memory_space<vmem>>, %arg3: memref<128x128xf32, #tpu.memory_space<vmem>>, %arg4: memref<1x128xf32, #tpu.memory_space<vmem>>, %arg5: memref<1000x128xf32, #tpu.memory_space<vmem>>) attributes {dimension_semantics = [#tpu.dimension_semantics<arbitrary>], iteration_bounds = array<i64: 10>, scalar_prefetch = 0 : i64, scratch_operands = 0 : i64, tpu.core_type = #tpu.core_type<tc>, window_params = [{transform_indices = @transform_0, window_bounds = array<i64: 1000, 128>}, {transform_indices = @transform_1, window_bounds = array<i64: 1000, 3>}, {pipeline_mode = #tpu.pipeline_mode<synchronous>, transform_indices = @transform_2, window_bounds = array<i64: 128, 128>}, {pipeline_mode = #tpu.pipeline_mode<synchronous>, transform_indices = @transform_3, window_bounds = array<i64: 1, 128>}, {transform_indices = @transform_4, window_bounds = array<i64: 1000, 128>}]} {
    %get3A = arith.constant 0 : index
    %get3A_0 = arith.constant 0 : index
    %get3A_1 = vector.load %arg1[%get3A, %get3A_0] : memref<1000x128xf32, #tpu.memory_space<vmem>>, vector<1000x128xf32>
    %get3A_2 = arith.constant 0 : index
    %get3A_3 = arith.constant 0 : index
    %get3A_4 = vector.load %arg2[%get3A_2, %get3A_3] : memref<1000x3xf32, #tpu.memory_space<vmem>>, vector<1000x3xf32>
    %slice3A = vector.extract_strided_slice %get3A_4 {offsets = [0, 0], sizes = [1000, 1], strides = [1, 1]} : vector<1000x3xf32> to vector<1000x1xf32>
    %slice3A_5 = vector.extract_strided_slice %get3A_4 {offsets = [0, 2], sizes = [1000, 1], strides = [1, 1]} : vector<1000x3xf32> to vector<1000x1xf32>
    %add3A = arith.addf %slice3A, %slice3A_5 : vector<1000x1xf32>
    %mul3A = vector.broadcast %add3A : vector<1000x1xf32> to vector<1000x128xf32>
    %mul3A_6 = arith.mulf %get3A_1, %mul3A : vector<1000x128xf32>
    %get3A_7 = arith.constant 0 : index
    %get3A_8 = arith.constant 0 : index
    %get3A_9 = vector.load %arg3[%get3A_7, %get3A_8] : memref<128x128xf32, #tpu.memory_space<vmem>>, vector<128x128xf32>
    %dot_general3A = arith.constant dense<0.000000e+00> : vector<1000x128xf32>
    %dot_general3A_10 = tpu.matmul %mul3A_6, %get3A_9, %dot_general3A {dimension_numbers = #tpu.dot_dimension_numbers<[1], [1], [0], [0], [0, 0, 1, 0], [], []>, transpose_lhs_hint = false} : vector<1000x128xf32>, vector<128x128xf32>, vector<1000x128xf32> -> vector<1000x128xf32>
    %get3A_11 = arith.constant 0 : index
    %get3A_12 = arith.constant 0 : index
    %get3A_13 = vector.load %arg4[%get3A_11, %get3A_12] : memref<1x128xf32, #tpu.memory_space<vmem>>, vector<1x128xf32>
    %add3A_14 = vector.broadcast %get3A_13 : vector<1x128xf32> to vector<1000x128xf32>
    %add3A_15 = arith.addf %dot_general3A_10, %add3A_14 : vector<1000x128xf32>
    %max3A = arith.constant 0.000000e+00 : f32
    %max3A_16 = vector.broadcast %max3A : f32 to vector<1000x128xf32>
    %max3A_17 = arith.maximumf %add3A_15, %max3A_16 : vector<1000x128xf32>
    %swap3A = arith.constant 0 : index
    %swap3A_18 = arith.constant 0 : index
    %swap3A_19 = vector.load %arg5[%swap3A, %swap3A_18] : memref<1000x128xf32, #tpu.memory_space<vmem>>, vector<1000x128xf32>
    tpu.vector_store %arg5[%swap3A, %swap3A_18], %max3A_17 {strides = array<i32>} : memref<1000x128xf32, #tpu.memory_space<vmem>>, vector<1000x128xf32>,
    return
  }
  func.func @transform_0(%arg0: i32) -> (i32, i32) {
    %c0_i32 = arith.constant 0 : i32
    %c0_i32_0 = arith.constant 0 : i32
    return %arg0, %c0_i32 : i32, i32
  }
  func.func @transform_1(%arg0: i32) -> (i32, i32) {
    %c0_i32 = arith.constant 0 : i32
    %c0_i32_0 = arith.constant 0 : i32
    return %arg0, %c0_i32 : i32, i32
  }
  func.func @transform_2(%arg0: i32) -> (i32, i32) {
    %c0_i32 = arith.constant 0 : i32
    %c0_i32_0 = arith.constant 0 : i32
    %c0_i32_1 = arith.constant 0 : i32
    return %c0_i32, %c0_i32_0 : i32, i32
  }
  func.func @transform_3(%arg0: i32) -> (i32, i32) {
    %c0_i32 = arith.constant 0 : i32
    %c0_i32_0 = arith.constant 0 : i32
    %c0_i32_1 = arith.constant 0 : i32
    return %c0_i32, %c0_i32_0 : i32, i32
  }
  func.func @transform_4(%arg0: i32) -> (i32, i32) {
    %c0_i32 = arith.constant 0 : i32
    %c0_i32_0 = arith.constant 0 : i32
    return %arg0, %c0_i32 : i32, i32
  }
}

module attributes {stable_mosaic.version = 14 : i64} {
  func.func @_mid_body(%arg0: i32, %arg1: memref<2x1024x128xf32, #tpu.memory_space<vmem>>, %arg2: memref<32x1x1024xf32, #tpu.memory_space<vmem>>, %arg3: memref<1024x128xf32, #tpu.memory_space<vmem>>) attributes {dimension_semantics = [#tpu.dimension_semantics<arbitrary>], iteration_bounds = array<i64: 10>, scalar_prefetch = 0 : i64, scratch_operands = 0 : i64, tpu.core_type = #tpu.core_type<tc>, window_params = [{transform_indices = @transform_0, window_bounds = array<i64: 2, 1024, 128>}, {transform_indices = @transform_1, window_bounds = array<i64: 32, 1, 1024>}, {transform_indices = @transform_2, window_bounds = array<i64: 1024, 128>}]} {
    %get3A = arith.constant 0 : index
    %get3A_0 = arith.constant 0 : index
    %get3A_1 = arith.constant 0 : index
    %get3A_2 = vector.load %arg1[%get3A, %get3A_0, %get3A_1] : memref<2x1024x128xf32, #tpu.memory_space<vmem>>, vector<1x1024x128xf32>
    %get3A_3 = vector.shape_cast %get3A_2 : vector<1x1024x128xf32> to vector<1024x128xf32>
    %get3A_4 = arith.constant 1 : index
    %get3A_5 = arith.constant 0 : index
    %get3A_6 = arith.constant 0 : index
    %get3A_7 = vector.load %arg1[%get3A_4, %get3A_5, %get3A_6] : memref<2x1024x128xf32, #tpu.memory_space<vmem>>, vector<1x1024x128xf32>
    %get3A_8 = vector.shape_cast %get3A_7 : vector<1x1024x128xf32> to vector<1024x128xf32>
    %add3A = arith.addf %get3A_3, %get3A_8 : vector<1024x128xf32>
    %get3A_9 = arith.constant 0 : index
    %get3A_10 = arith.constant 0 : index
    %get3A_11 = arith.constant 0 : index
    %get3A_12 = vector.load %arg2[%get3A_9, %get3A_10, %get3A_11] : memref<32x1x1024xf32, #tpu.memory_space<vmem>>, vector<32x1x1024xf32>
    %reshape3A = vector.shape_cast %get3A_12 : vector<32x1x1024xf32> to vector<32x1024xf32>
    %broadcast_in_dim3A = arith.constant 1.000000e+00 : f32
    %broadcast_in_dim3A_13 = vector.broadcast %broadcast_in_dim3A : f32 to vector<32x1xf32>
    %dot_general3A = arith.constant dense<0.000000e+00> : vector<1024x1xf32>
    %dot_general3A_14 = tpu.matmul %reshape3A, %broadcast_in_dim3A_13, %dot_general3A {dimension_numbers = #tpu.dot_dimension_numbers<[0], [0], [1], [1], [0, 1, 1, 1], [], []>, transpose_lhs_hint = false} : vector<32x1024xf32>, vector<32x1xf32>, vector<1024x1xf32> -> vector<1024x1xf32>
    %jit3A = arith.constant 1.000000e+00 : f32
    %max3A = vector.broadcast %jit3A : f32 to vector<1024x1xf32>
    %max3A_15 = arith.maximumf %max3A, %dot_general3A_14 : vector<1024x1xf32>
    %div3A = vector.broadcast %max3A_15 : vector<1024x1xf32> to vector<1024x128xf32>
    %div3A_16 = arith.divf %add3A, %div3A : vector<1024x128xf32>
    %swap3A = arith.constant 0 : index
    %swap3A_17 = arith.constant 0 : index
    %swap3A_18 = vector.load %arg3[%swap3A, %swap3A_17] : memref<1024x128xf32, #tpu.memory_space<vmem>>, vector<1024x128xf32>
    tpu.vector_store %arg3[%swap3A, %swap3A_17], %div3A_16 {strides = array<i32>} : memref<1024x128xf32, #tpu.memory_space<vmem>>, vector<1024x128xf32>,
    return
  }
  func.func @transform_0(%arg0: i32) -> (i32, i32, i32) {
    %c0_i32 = arith.constant 0 : i32
    %c0_i32_0 = arith.constant 0 : i32
    %c0_i32_1 = arith.constant 0 : i32
    return %c0_i32, %arg0, %c0_i32_0 : i32, i32, i32
  }
  func.func @transform_1(%arg0: i32) -> (i32, i32, i32) {
    %c0_i32 = arith.constant 0 : i32
    %c0_i32_0 = arith.constant 0 : i32
    %c0_i32_1 = arith.constant 0 : i32
    return %c0_i32, %c0_i32_0, %arg0 : i32, i32, i32
  }
  func.func @transform_2(%arg0: i32) -> (i32, i32) {
    %c0_i32 = arith.constant 0 : i32
    %c0_i32_0 = arith.constant 0 : i32
    return %arg0, %c0_i32 : i32, i32
  }
}

module attributes {stable_mosaic.version = 14 : i64} {
  func.func @_fin_body(%arg0: i32, %arg1: memref<2x1024x128xf32, #tpu.memory_space<vmem>>, %arg2: memref<32x1x1024xf32, #tpu.memory_space<vmem>>, %arg3: memref<1024x128xf32, #tpu.memory_space<vmem>>, %arg4: memref<1024x3xf32, #tpu.memory_space<vmem>>, %arg5: memref<128x128xf32, #tpu.memory_space<vmem>>, %arg6: memref<1x128xf32, #tpu.memory_space<vmem>>, %arg7: memref<1024x128xf32, #tpu.memory_space<vmem>>) attributes {dimension_semantics = [#tpu.dimension_semantics<arbitrary>], iteration_bounds = array<i64: 10>, scalar_prefetch = 0 : i64, scratch_operands = 0 : i64, tpu.core_type = #tpu.core_type<tc>, window_params = [{transform_indices = @transform_0, window_bounds = array<i64: 2, 1024, 128>}, {transform_indices = @transform_1, window_bounds = array<i64: 32, 1, 1024>}, {transform_indices = @transform_2, window_bounds = array<i64: 1024, 128>}, {transform_indices = @transform_3, window_bounds = array<i64: 1024, 3>}, {pipeline_mode = #tpu.pipeline_mode<synchronous>, transform_indices = @transform_4, window_bounds = array<i64: 128, 128>}, {pipeline_mode = #tpu.pipeline_mode<synchronous>, transform_indices = @transform_5, window_bounds = array<i64: 1, 128>}, {transform_indices = @transform_6, window_bounds = array<i64: 1024, 128>}]} {
    %get3A = arith.constant 0 : index
    %get3A_0 = arith.constant 0 : index
    %get3A_1 = arith.constant 0 : index
    %get3A_2 = vector.load %arg1[%get3A, %get3A_0, %get3A_1] : memref<2x1024x128xf32, #tpu.memory_space<vmem>>, vector<1x1024x128xf32>
    %get3A_3 = vector.shape_cast %get3A_2 : vector<1x1024x128xf32> to vector<1024x128xf32>
    %get3A_4 = arith.constant 1 : index
    %get3A_5 = arith.constant 0 : index
    %get3A_6 = arith.constant 0 : index
    %get3A_7 = vector.load %arg1[%get3A_4, %get3A_5, %get3A_6] : memref<2x1024x128xf32, #tpu.memory_space<vmem>>, vector<1x1024x128xf32>
    %get3A_8 = vector.shape_cast %get3A_7 : vector<1x1024x128xf32> to vector<1024x128xf32>
    %add3A = arith.addf %get3A_3, %get3A_8 : vector<1024x128xf32>
    %get3A_9 = arith.constant 0 : index
    %get3A_10 = arith.constant 0 : index
    %get3A_11 = arith.constant 0 : index
    %get3A_12 = vector.load %arg2[%get3A_9, %get3A_10, %get3A_11] : memref<32x1x1024xf32, #tpu.memory_space<vmem>>, vector<32x1x1024xf32>
    %reshape3A = vector.shape_cast %get3A_12 : vector<32x1x1024xf32> to vector<32x1024xf32>
    %broadcast_in_dim3A = arith.constant 1.000000e+00 : f32
    %broadcast_in_dim3A_13 = vector.broadcast %broadcast_in_dim3A : f32 to vector<32x1xf32>
    %dot_general3A = arith.constant dense<0.000000e+00> : vector<1024x1xf32>
    %dot_general3A_14 = tpu.matmul %reshape3A, %broadcast_in_dim3A_13, %dot_general3A {dimension_numbers = #tpu.dot_dimension_numbers<[0], [0], [1], [1], [0, 1, 1, 1], [], []>, transpose_lhs_hint = false} : vector<32x1024xf32>, vector<32x1xf32>, vector<1024x1xf32> -> vector<1024x1xf32>
    %jit3A = arith.constant 1.000000e+00 : f32
    %max3A = vector.broadcast %jit3A : f32 to vector<1024x1xf32>
    %max3A_15 = arith.maximumf %max3A, %dot_general3A_14 : vector<1024x1xf32>
    %div3A = vector.broadcast %max3A_15 : vector<1024x1xf32> to vector<1024x128xf32>
    %div3A_16 = arith.divf %add3A, %div3A : vector<1024x128xf32>
    %get3A_17 = arith.constant 0 : index
    %get3A_18 = arith.constant 0 : index
    %get3A_19 = vector.load %arg4[%get3A_17, %get3A_18] : memref<1024x3xf32, #tpu.memory_space<vmem>>, vector<1024x3xf32>
    %slice3A = vector.extract_strided_slice %get3A_19 {offsets = [0, 0], sizes = [1024, 1], strides = [1, 1]} : vector<1024x3xf32> to vector<1024x1xf32>
    %slice3A_20 = vector.extract_strided_slice %get3A_19 {offsets = [0, 1], sizes = [1024, 1], strides = [1, 1]} : vector<1024x3xf32> to vector<1024x1xf32>
    %add3A_21 = arith.addf %slice3A, %slice3A_20 : vector<1024x1xf32>
    %get3A_22 = arith.constant 0 : index
    %get3A_23 = arith.constant 0 : index
    %get3A_24 = vector.load %arg3[%get3A_22, %get3A_23] : memref<1024x128xf32, #tpu.memory_space<vmem>>, vector<1024x128xf32>
    %get3A_25 = arith.constant 0 : index
    %get3A_26 = arith.constant 0 : index
    %get3A_27 = vector.load %arg5[%get3A_25, %get3A_26] : memref<128x128xf32, #tpu.memory_space<vmem>>, vector<128x128xf32>
    %dot_general3A_28 = arith.constant dense<0.000000e+00> : vector<1024x128xf32>
    %dot_general3A_29 = tpu.matmul %get3A_24, %get3A_27, %dot_general3A_28 {dimension_numbers = #tpu.dot_dimension_numbers<[1], [1], [0], [0], [0, 0, 1, 0], [], []>, transpose_lhs_hint = false} : vector<1024x128xf32>, vector<128x128xf32>, vector<1024x128xf32> -> vector<1024x128xf32>
    %get3A_30 = arith.constant 0 : index
    %get3A_31 = arith.constant 0 : index
    %get3A_32 = vector.load %arg6[%get3A_30, %get3A_31] : memref<1x128xf32, #tpu.memory_space<vmem>>, vector<1x128xf32>
    %add3A_33 = vector.broadcast %get3A_32 : vector<1x128xf32> to vector<1024x128xf32>
    %add3A_34 = arith.addf %dot_general3A_29, %add3A_33 : vector<1024x128xf32>
    %mul3A = vector.broadcast %add3A_21 : vector<1024x1xf32> to vector<1024x128xf32>
    %mul3A_35 = arith.mulf %div3A_16, %mul3A : vector<1024x128xf32>
    %add3A_36 = arith.addf %add3A_34, %mul3A_35 : vector<1024x128xf32>
    %max3A_37 = arith.constant 0.000000e+00 : f32
    %max3A_38 = vector.broadcast %max3A_37 : f32 to vector<1024x128xf32>
    %max3A_39 = arith.maximumf %add3A_36, %max3A_38 : vector<1024x128xf32>
    %swap3A = arith.constant 0 : index
    %swap3A_40 = arith.constant 0 : index
    %swap3A_41 = vector.load %arg7[%swap3A, %swap3A_40] : memref<1024x128xf32, #tpu.memory_space<vmem>>, vector<1024x128xf32>
    tpu.vector_store %arg7[%swap3A, %swap3A_40], %max3A_39 {strides = array<i32>} : memref<1024x128xf32, #tpu.memory_space<vmem>>, vector<1024x128xf32>,
    return
  }
  func.func @transform_0(%arg0: i32) -> (i32, i32, i32) {
    %c0_i32 = arith.constant 0 : i32
    %c0_i32_0 = arith.constant 0 : i32
    %c0_i32_1 = arith.constant 0 : i32
    return %c0_i32, %arg0, %c0_i32_0 : i32, i32, i32
  }
  func.func @transform_1(%arg0: i32) -> (i32, i32, i32) {
    %c0_i32 = arith.constant 0 : i32
    %c0_i32_0 = arith.constant 0 : i32
    %c0_i32_1 = arith.constant 0 : i32
    return %c0_i32, %c0_i32_0, %arg0 : i32, i32, i32
  }
  func.func @transform_2(%arg0: i32) -> (i32, i32) {
    %c0_i32 = arith.constant 0 : i32
    %c0_i32_0 = arith.constant 0 : i32
    return %arg0, %c0_i32 : i32, i32
  }
  func.func @transform_3(%arg0: i32) -> (i32, i32) {
    %c0_i32 = arith.constant 0 : i32
    %c0_i32_0 = arith.constant 0 : i32
    return %arg0, %c0_i32 : i32, i32
  }
  func.func @transform_4(%arg0: i32) -> (i32, i32) {
    %c0_i32 = arith.constant 0 : i32
    %c0_i32_0 = arith.constant 0 : i32
    %c0_i32_1 = arith.constant 0 : i32
    return %c0_i32, %c0_i32_0 : i32, i32
  }
  func.func @transform_5(%arg0: i32) -> (i32, i32) {
    %c0_i32 = arith.constant 0 : i32
    %c0_i32_0 = arith.constant 0 : i32
    %c0_i32_1 = arith.constant 0 : i32
    return %c0_i32, %c0_i32_0 : i32, i32
  }
  func.func @transform_6(%arg0: i32) -> (i32, i32) {
    %c0_i32 = arith.constant 0 : i32
    %c0_i32_0 = arith.constant 0 : i32
    return %arg0, %c0_i32 : i32, i32
  }
}

</mosaic_0001>

<sc_bundles>
// kernel: kernel.10.cloned.1.call-start
scs
__scs_entry_jumppad:
0x0: {  	(pc) =	sbr.rel $0x88, $3  }
0x1: {  	(tag) =	ssettag $0x0;
	lr =	simm.s32 $0x1  }
0x2: {  	[smem:$0x3F9A] =	sst lr;
	_ =	strace $0xD0000000  }
0x3: {  	_ = 	snop  }
0x4: {  	_ = 	snop  }
0x5: {  	_ = 	snop  }
0x6: {  	_ = 	snop  }
0x7: {  	_ = 	snop  }
__scs_overlays_trampoline_lowered:
0x8: {  	[smem:$0x3FA9] =	sst s0  }
0x9: {  	[smem:$0x3FAA] =	sst s1  }
0xa: {  	[smem:$0x3FAB] =	sst s2  }
0xb: {  	[smem:$0x3FAC] =	sst s3  }
0xc: {  	[smem:$0x3FAD] =	sst s4  }
0xd: {  	[smem:$0x3FAE] =	sst s5  }
0xe: {  	[smem:$0x3FAF] =	sst s6  }
0xf: {  	[smem:$0x3FB0] =	sst s7  }
0x10: {  	[smem:$0x3FB1] =	sst s8  }
0x11: {  	[smem:$0x3FB2] =	sst s9;
	s0 =	simm.s32 @!p0 $0x0  }
0x12: {  	s1 =	sld [smem:$0x3F98];
	s0 =	simm.s32 @p0 $0x1  }
0x13: {  	[smem:$0x3FB3] =	sst s0;
	s0 =	simm.s32 @!p1 $0x0  }
0x14: {  	s2 =	sld [smem:$0x3F97];
	s0 =	simm.s32 @p1 $0x1  }
0x15: {  	[smem:$0x3FB4] =	sst s0;
	s0 =	simm.s32 @!p2 $0x0  }
0x16: {  	s3 =	sld [smem:$0x3FDB];
	s0 =	simm.s32 @p2 $0x1  }
0x17: {  	s4 =	simm.s32 $0x1BF5;
	[smem:$0x3FB6] =	sst s0  }
0x18: {  	s0 =	sld [smem:$0x3F99];
	_ =	swait.ge [sflag:s4], $0x0  }
0x19: {  	s7 =	sld [smem:$0x3F9A]  }
0x1a: {  	s8 =	sadd.s32 $0xFFFFE003, lr  }
0x1b: {  	s9 =	sadd.s32 $0xFFFFFEF7, lr;
	s5 =	simm.s32 $0xFFFFFFFF;
	p2 =	slt.u32 s8, $0xFFFFF086  }
0x1c: {  	p1 =	slt.u32 s9, $0xF7A;
	s5 =	simm.s32 @!p2 $0x0  }
0x1d: {  	s5 =	simm.s32 @p1 $0x1;
	p0 =	seq.s32 s7, s2  }
0x1e: {  	s7 =	smul.u32 @!p0 $0xF7A, s2;
	p2 =	seq.s32 @!p0 s5, $0x0  }
0x1f: {  	s9 =	smul.u32 $0xF7A, s1;
	s8 =	simm.s32 @!p0 $0x1BF5;
	p2 =	por !p2, p0  }
0x20: {  	[sflag:s8] =	ssyncset.s32 @!p0 $0xFFFFF086;
	s6 =	sadd.s32 @!p0 s3, s7;
	s7 =	simm.s32 @!p0 $0x108  }
0x21: {  	s3 =	sadd.s32 s3, s9;
	s6 =	sadd.s32 @!p0 $0x88, s6;
	s7 =	simm.s32 @p2 $0x1082  }
0x22: {  	[simem:s7], [sflag:s8] =	dma.local @!p0 [hbm:s6], $0xF7A  }
0x23: {  	s9 =	sor.u32 $0xD0000000, s2;
	s6 =	simm.s32 $0x108;
	_ =	swait.ge @!p0 [sflag:s8], $0x0  }
0x24: {  	s3 =	sadd.s32 $0x88, s3;
	s6 =	simm.s32 @!p1 $0x1082;
	[sflag:s4] =	ssyncset.s32 $0xFFFFF086  }
0x25: {  	[simem:s6], [sflag:s4] =	dma.local [hbm:s3], $0xF7A  }
0x26: {  	[smem:$0x3F9A] =	sst s1;
	(tag) =	ssettag s2;
	_ =	strace s9  }
0x27: {  	s1 =	sld [smem:$0x3FAA]  }
0x28: {  	s2 =	sld [smem:$0x3FAB]  }
0x29: {  	s4 =	sld [smem:$0x3FAD]  }
0x2a: {  	p0 =	seq.s32 s5, $0x0;
	s5 =	sld [smem:$0x3FAE]  }
0x2b: {  	s6 =	sld [smem:$0x3FAF]  }
0x2c: {  	s7 =	sld [smem:$0x3FB0]  }
0x2d: {  	s3 =	simm.s32 $0x108;
	s8 =	sld [smem:$0x3FB1]  }
0x2e: {  	s3 =	simm.s32 @!p0 $0x1082;
	s9 =	sld [smem:$0x3FB2]  }
0x2f: {  	lr =	sadd.s32 s0, s3;
	s0 =	sld [smem:$0x3FA9]  }
0x30: {  	s3 =	sld [smem:$0x3FAC]  }
0x31: {  	[smem:$0x3FB5] =	sst s10  }
0x32: {  	s10 =	sld [smem:$0x3FB3];
	_ =	sdelay $0x3  }
0x33: {  	p0 =	seq.s32 s10, $0x1;
	s10 =	sld [smem:$0x3FB5];
	_ =	sdelay $0x3  }
0x34: {  	[smem:$0x3FB5] =	sst s10  }
0x35: {  	s10 =	sld [smem:$0x3FB4];
	_ =	sdelay $0x3  }
0x36: {  	p1 =	seq.s32 s10, $0x1;
	s10 =	sld [smem:$0x3FB5];
	_ =	sdelay $0x3  }
0x37: {  	[smem:$0x3FB5] =	sst s10  }
0x38: {  	s10 =	sld [smem:$0x3FB6]  }
0x39: {  	_ = 	snop;
	(pc) =	sbr.ind lr, $3  }
0x3a: {  	_ = 	snop  }
0x3b: {  	_ = 	snop  }
0x3c: {  	p2 =	seq.s32 s10, $0x1;
	s10 =	sld [smem:$0x3FB5]  }
0x3d: {  	_ =	shalt  }
0x3e: {  	_ =	shalt  }
0x3f: {  	_ =	shalt  }
0x40: {  	_ =	shalt  }
0x41: {  	_ =	shalt  }
0x42: {  	_ =	shalt  }
0x43: {  	_ =	shalt  }
0x44: {  	_ =	shalt  }
0x45: {  	_ =	shalt  }
0x46: {  	_ =	shalt  }
0x47: {  	_ =	shalt  }
0x48: {  	_ =	shalt  }
0x49: {  	_ =	shalt  }
0x4a: {  	_ =	shalt  }
0x4b: {  	_ =	shalt  }
0x4c: {  	_ =	shalt  }
0x4d: {  	_ =	shalt  }
0x4e: {  	_ =	shalt  }
0x4f: {  	_ =	shalt  }
0x50: {  	_ =	shalt  }
0x51: {  	_ =	shalt  }
0x52: {  	_ =	shalt  }
0x53: {  	_ =	shalt  }
0x54: {  	_ =	shalt  }
0x55: {  	_ =	shalt  }
0x56: {  	_ =	shalt  }
0x57: {  	_ =	shalt  }
0x58: {  	_ =	shalt  }
0x59: {  	_ =	shalt  }
0x5a: {  	_ =	shalt  }
0x5b: {  	_ =	shalt  }
0x5c: {  	_ =	shalt  }
0x5d: {  	_ =	shalt  }
0x5e: {  	_ =	shalt  }
0x5f: {  	_ =	shalt  }
0x60: {  	_ =	shalt  }
0x61: {  	_ =	shalt  }
0x62: {  	_ =	shalt  }
0x63: {  	_ =	shalt  }
0x64: {  	_ =	shalt  }
0x65: {  	_ =	shalt  }
0x66: {  	_ =	shalt  }
0x67: {  	_ =	shalt  }
0x68: {  	_ =	shalt  }
0x69: {  	_ =	shalt  }
0x6a: {  	_ =	shalt  }
0x6b: {  	_ =	shalt  }
0x6c: {  	_ =	shalt  }
0x6d: {  	_ =	shalt  }
0x6e: {  	_ =	shalt  }
0x6f: {  	_ =	shalt  }
0x70: {  	_ =	shalt  }
0x71: {  	_ =	shalt  }
0x72: {  	_ =	shalt  }
0x73: {  	_ =	shalt  }
0x74: {  	_ =	shalt  }
0x75: {  	_ =	shalt  }
0x76: {  	_ =	shalt  }
0x77: {  	_ =	shalt  }
0x78: {  	_ =	shalt  }
0x79: {  	_ =	shalt  }
0x7a: {  	_ =	shalt  }
0x7b: {  	_ =	shalt  }
0x7c: {  	_ =	shalt  }
0x7d: {  	_ =	shalt  }
0x7e: {  	_ =	shalt  }
0x7f: {  	_ =	shalt  }
0x80: {  	_ =	shalt  }
0x81: {  	_ =	shalt  }
0x82: {  	_ =	shalt  }
0x83: {  	_ =	shalt  }
0x84: {  	_ =	shalt  }
0x85: {  	_ =	shalt  }
0x86: {  	_ =	shalt  }
0x87: {  	_ =	shalt  }
.Lfunc_end0:
.L_simem_size_0:
called_computation.1_lowered:
.L_overlay_start_0:
0x88: {  	s2 =	sld [smem:$0x3FD9]  }
0x89: {  	s3 =	sld [smem:$0x3FFE];
	_ =	sdelay $0x1  }
0x8a: {  	s1 =	srdreg.scid  }
0x8b: {  	s0 =	sand.u32 $0x1, s1  }
0x8c: {  	s17 =	sshll.u32 s0, $0xA;
	s2 =	sadd.s32 s3, s2  }
0x8d: {  	s2 =	sadd.s32 s2, s17  }
0x8e: {  	[smem:$0x3FC1] =	sst s2  }
0x8f: {  	_ = 	snop  }
0x90: {  	s2 =	sld [smem:$0x3FD0];
	(tm) =	ssettm $0x1  }
0x91: {  	s18 =	sld [smem:$0x3FFB];
	_ =	sdelay $0x3  }
0x92: {  	_ =	strace s18  }
0x93: {  	s3 =	sld [smem:$0x3FFC];
	_ =	sdelay $0x3  }
0x94: {  	_ =	strace s3  }
0x95: {  	s3 =	sld [smem:$0x3FFD];
	_ =	sdelay $0x3  }
0x96: {  	_ =	strace s3  }
0x97: {  	_ =	strace $0x8FFFFFFF  }
0x98: {  	s19 =	sld [smem:$0x3FDB];
	_ =	sdelay $0x1  }
0x99: {  	s4 =	simm.s32 $_scs_section_size  }
0x9a: {  	s5 =	simm.s32 $_size__tile_overlayer_lowered;
	s6 =	simm.s32 $_tile_overlayer_lowered  }
0x9b: {  	s22 =	simm.s32 $0x1BFF;
	s21 =	sshll.u32 s6, $0x1;
	s3 =	sadd.s32 s4, s19  }
0x9c: {  	s7 =	simm.s32 $0x0;
	s20 =	sshll.u32 s5, $0x1;
	s5 =	sadd.s32 s21, s3  }
0x9d: {  	[timem:s7], [sflag:s22] =	dma.local [hbm:s5], s20  }
0x9e: {  	_ =	swait.ge [sflag:s22], s20  }
0x9f: {  	s4 =	ssub.s32 $0x0, s20;
	[sflag:s22] =	ssyncset.done $0x0  }
0xa0: {  	[sflag:s22] =	ssyncadd.s32 s4;
	_ =	sdelay $0x1  }
0xa1: {  	s23 =	simm.s32 $0x1B8B  }
0xa2: {  	_ =	swait.ge [sflag:s23], $0x1  }
0xa3: {  	[sflag:s23] =	ssyncset.done $0x0  }
0xa4: {  	s25 =	simm.s32 $0x1B8E;
	s24 =	sld [smem:$0x3FFE];
	[sflag:s23] =	ssyncadd.s32 $0xFFFFFFFF  }
0xa5: {  	s26 =	simm.s32 $execute0_lowered;
	[smem:$0x3FD2] =	sst s25  }
0xa6: {  	s5 =	sshll.u32 s26, $0x1;
	_ =	strace $0x80000049;
	[dreg:$0x1] =	wrdreg $0xFFFFFFFF  }
0xa7: {  	s28 =	simm.s32 $_size_execute0_lowered;
	s3 =	sadd.s32 s3, s5;
	[dreg:$0x0] =	wrdreg $0x0  }
0xa8: {  	s5 =	sshll.u32 s28, $0x1;
	[dreg:$0x2] =	wrdreg s3  }
0xa9: {  	[dreg:$0x3] =	wrdreg s5  }
0xaa: {  	[dreg:$0x4] =	wrdreg $0xC0  }
0xab: {  	_ =	task [dreg:s7], $0x5FFFF  }
0xac: {  	[dreg:$0x1] =	wrdreg $0xFFFFFFFF  }
0xad: {  	[dreg:$0x0] =	wrdreg $0x60  }
0xae: {  	[dreg:$0x2] =	wrdreg s24  }
0xaf: {  	[dreg:$0x3] =	wrdreg s2  }
0xb0: {  	[dreg:$0x4] =	wrdreg $0xB9000  }
0xb1: {  	[dreg:$0x5] =	wrdreg $0x9  }
0xb2: {  	_ =	task.clear_ibuf [dreg:s7], $0x6FFFF;
	_ =	strace $0x90000049  }
0xb3: {  	s29 =	simm.s32 $0x9;
	_ =	strace $0x8000004B  }
0xb4: {  	_ =	swait.ge [sflag:s29], $0x1  }
0xb5: {  	[sflag:s29] =	ssyncadd.s32 $0xFFFFFFFF  }
0xb6: {  	_ =	strace $0x9000004B  }
0xb7: {  	_ =	sfence  }
0xb8: {  	s30 =	sld [smem:$0x0];
	_ =	sdelay $0x2  }
0xb9: {  	s31 =	sshll.u32 s1, $0xD;
	s1 =	sshrl.u32 s1, $0x2  }
0xba: {  	s3 =	sand.u32 $0x4000, s31;
	s1 =	sadd.s32 s1, s30  }
0xbb: {  	s0 =	sor.u32 s3, s0;
	s1 =	sshll.u32 s1, $0x11  }
0xbc: {  	s0 =	sor.u32 s1, s0  }
0xbd: {  	s0 =	sadd.s32 $0x8F2B, s0  }
0xbe: {  	[sflag:s0] =	ssyncadd.remote.s32 $0x1  }
0xbf: {  	_ =	sfence.sel $0xFFFF  }
0xc0: {  	[dreg:$0x0] =	wrdreg $0xFFFFFFFF;
	(pc) =	sbr.abs _section_cstart, $3  }
0xc1: {  	[dreg:$0x1] =	wrdreg $0xFFFFFFFF  }
0xc2: {  	_ =	task.clear_ibuf [dreg:s7], $0x2FFFF;
	_ =	strace $0x9FFFFFFF  }
0xc3: {  	(tm) =	ssettm $0x7FFFFFFF  }
tec
execute0_lowered:
.L_overlay_start_1:
0x0: {  	(tag) =	ssettag $0x1  }
0x1: {  	s0 =	rddreg [dreg:$0x0]  }
0x2: {  	s3 =	rddreg [dreg:$0x1];
	s2 =	simm.s32 $0x0  }
0x3: {  	[smem:$0x7FF] =	sst s2  }
0x4: {  	s1 =	rddreg [dreg:$0x2];
	v0 =	vimm.s32 $0x0;
	_ =	strace $0x8000004A  }
0x5: {  	(xrf1) =	vunique.msk.u32 $0xffff, v0;
	_ =	sdelay $0xd  }
0x6: {  	_, v0, _ =	vpop (xrf1)  }
0x7: {  	v0 =	vxor.u32 $0x80000000, v0  }
0x8: {  	(xrf0) =	vmax.scan.msk.u32 $0xffff, v0;
	_ =	sdelay $0x5  }
0x9: {  	v0, _, _ =	vpop (xrf0)  }
0xa: {  	s4 =	srdreg.scid;
	s17 =	stileid.u32;
	(v2sf) =	vpush v0, $0xF  }
0xb: {  	s14 =	simm.s32 $0x28;
	s15 =	simm.s32 $0x4100;
	s16 =	simm.s32 $0x5500  }
0xc: {  	s20 =	simm.s32 $0x7;
	s28 =	simm.s32 $0x1;
	s29 =	simm.s32 $0x50  }
0xd: {  	s30 =	simm.s32 $0x9100;
	s31 =	simm.s32 $0x5;
	s12 =	smul.u32 $0x2800, s17  }
0xe: {  	s5 =	sand.u32 $0x1, s4;
	s13 =	smul.u32 $0x50000, s17;
	s26 =	sshll.u32 s17, $0x6  }
0xf: {  	s4 =	sshll.u32 s5, $0x4;
	s9 =	smul.u32 $0x28000, s5;
	s5 =	ssub.s32 $0x2, s5  }
0x10: {  	s18 =	sor.u32 $0x1C07, s26;
	s26 =	simm.s32 $0x7D00;
	s6 =	sor.u32 s17, s4  }
0x11: {  	s4 =	sadd.s32 $0x4A600, s0;
	s8 =	sadd.s32 s12, s0;
	s10 =	sshrl.u32 s5, $0x1  }
0x12: {  	s23 =	sshrl.u32 s13, $0x2;
	s13 =	simm.s32 $0x3;
	s17 =	simm.s32 $0x80  }
0x13: {  	s7 =	sshll.u32 s6, $0xB;
	s5 =	ssub.s32 s5, s10;
	s19 =	sadd.s32 s23, s1  }
0x14: {  	s6 =	smul.u32 $0x500, s6;
	s8 =	sadd.s32 $0x22600, s8;
	s7 =	sadd.s32 s7, s0  }
0x15: {  	s0 =	sadd.s32 s9, s0;
	[dreg:$0x6] =	wrdreg s8;
	s19 =	sshrl.u32 s19, $0x3  }
0x16: {  	s22 =	sadd.s32 $0x2600, s7;
	s24 =	sadd.s32 $0x2610, s7;
	s25 =	sadd.s32 $0x12600, s7  }
0x17: {  	s9 =	sadd.s32 $0x2630, s7;
	s0 =	sadd.s32 $0x72600, s0;
	[dreg:$0x4] =	wrdreg s22  }
0x18: {  	s10 =	sadd.s32 s3, s6;
	s7 =	sadd.s32 $0x2620, s7;
	[dreg:$0x5] =	wrdreg s24  }
0x19: {  	s3 =	simm.s32 $0x6;
	[dreg:$0x7] =	wrdreg s25;
	s11 =	spop (v2sf)  }
0x1a: {  	s22 =	simm.s32 $0x4;
	s23 =	sadd.s32 s12, s0;
	s21 =	sxor.u32 $0x80000000, s11  }
0x1b: {  	s24 =	simm.s32 $0x6900;
	s25 =	simm.s32 $0xA8;
	s21 =	ssub.s32 $0x10, s21  }
0x1c: {  	v1 =	vimm.f32 $0.0e+00;
	s0 =	simm.s32 $0x2;
	s11 =	smax.u32 s5, $0x1;
	v0 =	vmov s21;
	s21 =	simm.s32 $0x0  }
.LBB2_1:
0x1d: {  	s5 =	rddreg [dreg:$0x4]  }
0x1e: {  	[tilespmem:s2], [sflag:$0x3] =	stream.linear.gather [hbm4b:s5+s2], $0x80, $0x38;
	[tilespmem:$0x1F900] =	vst v63  }
0x1f: {  	_ =	swait.ge [sflag:s13], $0x80  }
0x20: {  	[sflag:s13] =	ssyncset.done $0x0  }
0x21: {  	[sflag:s13] =	ssyncadd.s32 $0xFFFFFF80  }
0x22: {  	[tilespmem:s15], [sflag:$0x1] =	stream.indirect.gather [hbm4b:s4+s14], $0x80, s2, s14, $0xb8;
	[tilespmem:$0x1F900] =	vst v63  }
0x23: {  	s6 =	rddreg [dreg:$0x5]  }
0x24: {  	[tilespmem:s16], [sflag:$0x1] =	stream.indirect.gather [hbm4b:s4+s14], $0x80, s14, s14, $0xb8;
	[tilespmem:$0x1F900] =	vst v63  }
0x25: {  	s8 =	rddreg [dreg:$0x6]  }
0x26: {  	[tilespmem:s17], [sflag:$0x4] =	stream.linear.gather [hbm4b:s6+s2], $0x80, $0x38;
	[tilespmem:$0x1F900] =	vst v63  }
0x27: {  	[spmem:s19], [sflag:s18] =	dma.local [hbm:s8], $0x2800  }
0x28: {  	_ =	swait.ge [sflag:s20], $0x2800  }
0x29: {  	[sflag:s20] =	ssyncset.done $0x0  }
0x2a: {  	s6 =	simm.s32 $0x100;
	s12 =	rddreg [dreg:$0x7];
	[sflag:s20] =	ssyncadd.s32 $0xFFFFD800  }
0x2b: {  	[tilespmem:s6], [sflag:$0x7] =	stream.linear.gather [hbm4b:s12+s2], $0x3E80, $0x38;
	[tilespmem:$0x1F900] =	vst v63  }
0x2c: {  	_ =	swait.ge [sflag:s20], $0x3E80  }
0x2d: {  	[sflag:s20] =	ssyncset.done $0x0  }
0x2e: {  	s5 =	simm.s32 $0x40;
	s6 =	simm.s32 $0x0;
	[sflag:s20] =	ssyncadd.s32 $0xFFFFC180  }
.LBB2_2:
0x2f: {  	p0 =	sne.s32 s5, $0x9FC0;
	[tilespmem:s6+$0x9100] =	vst v1;
	s6 =	smov.u32 s5;
	s5 =	sadd.s32 $0x40, s5  }
.Ltmp0:
0x30: {  	(pc) =	sbr.rel @p0 .LBB2_2-.Ltmp0, $2  }
0x31: {  	_ =	sdelay $0x2  }
0x32: {  	s6 =	sshra.s32 s6, $0x2  }
0x33: {  	[tilespmem:s6+$0x9100] =	vst v1  }
0x34: {  	_ =	swait.ge [sflag:s22], $0x80  }
0x35: {  	[sflag:s22] =	ssyncset.done $0x0  }
0x36: {  	s5 =	simm.s32 $0x0;
	[sflag:s22] =	ssyncadd.s32 $0xFFFFFF80  }
0x37: {  	s6 =	simm.s32 $0x180;
	s12 =	smov.u32 s7;
	[bflag:$0x0] =	sbarrier.arrive $0xFFFF  }
.LBB2_4:
0x38: {  	[tilespmem:s24], [sflag:$0x2] =	stream.indirect.gather [hbm4b:s4+s14], $0x80, s17, s14, $0xb8;
	[tilespmem:$0x1F900] =	vst v63  }
0x39: {  	_ = 	snop  }
0x3a: {  	[tilespmem:s26], [sflag:$0x2] =	stream.indirect.gather [hbm4b:s4+s14], $0x80, s25, s14, $0xb8;
	[tilespmem:$0x1F900] =	vst v63  }
0x3b: {  	_ =	swait.ge [sflag:s28], $0x2800  }
0x3c: {  	[sflag:s28] =	ssyncset.done $0x0  }
0x3d: {  	[sflag:s28] =	ssyncadd.s32 $0xFFFFD800  }
0x3e: {  	[tilespmem:s2], [sflag:$0x3] =	stream.linear.gather [hbm4b:s12+s2], $0x80, $0x38;
	[tilespmem:$0x1F900] =	vst v63  }
0x3f: {  	s8 =	sadd.s32 $0xFFFFFF80, s6  }
0x40: {  	[spmem:s1] =	stream.indirect.scatter.add.f32 [tilespmem:s15], [sflag:$0x5], $0x80, s8, s29, $0xb8;
	[tilespmem:$0x1F900] =	vst v63  }
0x41: {  	v2 =	vld [tilespmem:s6+$0xFFFFFF80];
	_ =	sdelay $0x4  }
0x42: {  	(xrf1) =	vunique.msk.u32 $0xffff, v2;
	_ =	sdelay $0xd  }
0x43: {  	_, v3, vm0 =	vpop (xrf1);
	_ =	sdelay $0x2  }
0x44: {  	v3 =	vadd.s32 v0, v3  }
0x45: {  	v3 =	vcvt.s32.f32 v3;
	_ =	sdelay $0x1  }
0x46: {  	[tilespmem:v2+s30+$0x0] =	vst.idx.add.f32.msk vm0, v3  }
0x47: {  	v2 =	vld [tilespmem:s6+$0xFFFFFF90];
	_ =	sdelay $0x4  }
0x48: {  	(xrf1) =	vunique.msk.u32 $0xffff, v2;
	_ =	sdelay $0xd  }
0x49: {  	_, v3, vm0 =	vpop (xrf1);
	_ =	sdelay $0x2  }
0x4a: {  	v3 =	vadd.s32 v0, v3  }
0x4b: {  	v3 =	vcvt.s32.f32 v3;
	_ =	sdelay $0x1  }
0x4c: {  	[tilespmem:v2+s30+$0x0] =	vst.idx.add.f32.msk vm0, v3  }
0x4d: {  	v2 =	vld [tilespmem:s6+$0xFFFFFFA0];
	_ =	sdelay $0x4  }
0x4e: {  	(xrf1) =	vunique.msk.u32 $0xffff, v2;
	_ =	sdelay $0xd  }
0x4f: {  	_, v3, vm0 =	vpop (xrf1);
	_ =	sdelay $0x2  }
0x50: {  	v3 =	vadd.s32 v0, v3  }
0x51: {  	v3 =	vcvt.s32.f32 v3;
	_ =	sdelay $0x1  }
0x52: {  	[tilespmem:v2+s30+$0x0] =	vst.idx.add.f32.msk vm0, v3  }
0x53: {  	v2 =	vld [tilespmem:s6+$0xFFFFFFB0];
	_ =	sdelay $0x4  }
0x54: {  	(xrf1) =	vunique.msk.u32 $0xffff, v2;
	_ =	sdelay $0xd  }
0x55: {  	_, v3, vm0 =	vpop (xrf1);
	_ =	sdelay $0x2  }
0x56: {  	v3 =	vadd.s32 v0, v3  }
0x57: {  	v3 =	vcvt.s32.f32 v3;
	_ =	sdelay $0x1  }
0x58: {  	[tilespmem:v2+s30+$0x0] =	vst.idx.add.f32.msk vm0, v3  }
0x59: {  	v2 =	vld [tilespmem:s6+$0xFFFFFFC0];
	_ =	sdelay $0x4  }
0x5a: {  	(xrf1) =	vunique.msk.u32 $0xffff, v2;
	_ =	sdelay $0xd  }
0x5b: {  	_, v3, vm0 =	vpop (xrf1);
	_ =	sdelay $0x2  }
0x5c: {  	v3 =	vadd.s32 v0, v3  }
0x5d: {  	v3 =	vcvt.s32.f32 v3;
	_ =	sdelay $0x1  }
0x5e: {  	[tilespmem:v2+s30+$0x0] =	vst.idx.add.f32.msk vm0, v3  }
0x5f: {  	_ =	swait.ge [sflag:s13], $0x80  }
0x60: {  	[sflag:s13] =	ssyncset.done $0x0  }
0x61: {  	[sflag:s13] =	ssyncadd.s32 $0xFFFFFF80  }
0x62: {  	_ =	swait.ge [sflag:s31], $0x2800  }
0x63: {  	[sflag:s31] =	ssyncset.done $0x0  }
0x64: {  	[sflag:s31] =	ssyncadd.s32 $0xFFFFD800  }
0x65: {  	[tilespmem:s15], [sflag:$0x1] =	stream.indirect.gather [hbm4b:s4+s14], $0x80, s2, s14, $0xb8;
	[tilespmem:$0x1F900] =	vst v63  }
0x66: {  	_ = 	snop  }
0x67: {  	[tilespmem:s16], [sflag:$0x1] =	stream.indirect.gather [hbm4b:s4+s14], $0x80, s14, s14, $0xb8;
	[tilespmem:$0x1F900] =	vst v63  }
0x68: {  	s8 =	smin.u32 s5, $0x79;
	_ =	swait.ge [sflag:s0], $0x2800  }
0x69: {  	s8 =	sshll.u32 s8, $0x4;
	[sflag:s0] =	ssyncset.done $0x0  }
0x6a: {  	s8 =	sadd.s32 s8, s9;
	[sflag:s0] =	ssyncadd.s32 $0xFFFFD800  }
0x6b: {  	[tilespmem:s17], [sflag:$0x4] =	stream.linear.gather [hbm4b:s8+s2], $0x80, $0x38;
	[tilespmem:$0x1F900] =	vst v63  }
0x6c: {  	_ = 	snop  }
0x6d: {  	[spmem:s1] =	stream.indirect.scatter.add.f32 [tilespmem:s24], [sflag:$0x6], $0x80, s6, s29, $0xb8;
	[tilespmem:$0x1F900] =	vst v63  }
0x6e: {  	v2 =	vld [tilespmem:s6+$0x0];
	_ =	sdelay $0x4  }
0x6f: {  	(xrf1) =	vunique.msk.u32 $0xffff, v2;
	_ =	sdelay $0xd  }
0x70: {  	_, v3, vm0 =	vpop (xrf1);
	_ =	sdelay $0x2  }
0x71: {  	v3 =	vadd.s32 v0, v3  }
0x72: {  	v3 =	vcvt.s32.f32 v3;
	_ =	sdelay $0x1  }
0x73: {  	[tilespmem:v2+s30+$0x0] =	vst.idx.add.f32.msk vm0, v3  }
0x74: {  	v2 =	vld [tilespmem:s6+$0x10];
	_ =	sdelay $0x4  }
0x75: {  	(xrf1) =	vunique.msk.u32 $0xffff, v2;
	_ =	sdelay $0xd  }
0x76: {  	_, v3, vm0 =	vpop (xrf1);
	_ =	sdelay $0x2  }
0x77: {  	v3 =	vadd.s32 v0, v3  }
0x78: {  	v3 =	vcvt.s32.f32 v3;
	_ =	sdelay $0x1  }
0x79: {  	[tilespmem:v2+s30+$0x0] =	vst.idx.add.f32.msk vm0, v3  }
0x7a: {  	v2 =	vld [tilespmem:s6+$0x20];
	_ =	sdelay $0x4  }
0x7b: {  	(xrf1) =	vunique.msk.u32 $0xffff, v2;
	_ =	sdelay $0xd  }
0x7c: {  	_, v3, vm0 =	vpop (xrf1);
	_ =	sdelay $0x2  }
0x7d: {  	v3 =	vadd.s32 v0, v3  }
0x7e: {  	v3 =	vcvt.s32.f32 v3;
	_ =	sdelay $0x1  }
0x7f: {  	[tilespmem:v2+s30+$0x0] =	vst.idx.add.f32.msk vm0, v3  }
0x80: {  	v2 =	vld [tilespmem:s6+$0x30];
	_ =	sdelay $0x4  }
0x81: {  	(xrf1) =	vunique.msk.u32 $0xffff, v2;
	_ =	sdelay $0xd  }
0x82: {  	_, v3, vm0 =	vpop (xrf1);
	_ =	sdelay $0x2  }
0x83: {  	v3 =	vadd.s32 v0, v3  }
0x84: {  	v3 =	vcvt.s32.f32 v3;
	_ =	sdelay $0x1  }
0x85: {  	[tilespmem:v2+s30+$0x0] =	vst.idx.add.f32.msk vm0, v3  }
0x86: {  	v2 =	vld [tilespmem:s6+$0x40];
	_ =	sdelay $0x4  }
0x87: {  	(xrf1) =	vunique.msk.u32 $0xffff, v2;
	_ =	sdelay $0xd  }
0x88: {  	_, v3, vm0 =	vpop (xrf1);
	_ =	sdelay $0x2  }
0x89: {  	v3 =	vadd.s32 v0, v3  }
0x8a: {  	v3 =	vcvt.s32.f32 v3;
	_ =	sdelay $0x1  }
0x8b: {  	[tilespmem:v2+s30+$0x0] =	vst.idx.add.f32.msk vm0, v3  }
0x8c: {  	p0 =	sne.s32 s5, $0x7A;
	_ =	swait.ge [sflag:s22], $0x80  }
.Ltmp1:
0x8d: {  	[sflag:s22] =	ssyncset.done $0x0;
	(pc) =	sbr.rel @p0 .LBB2_4-.Ltmp1, $4  }
0x8e: {  	[sflag:s22] =	ssyncadd.s32 $0xFFFFFF80  }
0x8f: {  	_ =	swait.ge [sflag:s3], $0x2800  }
0x90: {  	s12 =	sadd.s32 $0x20, s12;
	[sflag:s3] =	ssyncset.done $0x0  }
0x91: {  	s5 =	sadd.s32 $0x2, s5;
	s6 =	sadd.s32 $0x100, s6;
	[sflag:s3] =	ssyncadd.s32 $0xFFFFD800  }
0x92: {  	_ =	swait.ge [sflag:s28], $0x2800  }
0x93: {  	[sflag:s28] =	ssyncset.done $0x0  }
0x94: {  	s5 =	simm.s32 $0x3F00;
	[sflag:s28] =	ssyncadd.s32 $0xFFFFD800  }
0x95: {  	[spmem:s1] =	stream.indirect.scatter.add.f32 [tilespmem:s15], [sflag:$0x5], $0x80, s5, s29, $0xb8;
	[tilespmem:$0x1F900] =	vst v63  }
0x96: {  	v2 =	vld [tilespmem:$0x3F00];
	_ =	sdelay $0x4  }
0x97: {  	(xrf1) =	vunique.msk.u32 $0xffff, v2;
	_ =	sdelay $0xd  }
0x98: {  	_, v3, vm0 =	vpop (xrf1);
	_ =	sdelay $0x2  }
0x99: {  	v3 =	vadd.s32 v0, v3  }
0x9a: {  	v3 =	vcvt.s32.f32 v3;
	_ =	sdelay $0x1  }
0x9b: {  	[tilespmem:v2+s30+$0x0] =	vst.idx.add.f32.msk vm0, v3  }
0x9c: {  	v2 =	vld [tilespmem:$0x3F10];
	_ =	sdelay $0x4  }
0x9d: {  	(xrf1) =	vunique.msk.u32 $0xffff, v2;
	_ =	sdelay $0xd  }
0x9e: {  	_, v3, vm0 =	vpop (xrf1);
	_ =	sdelay $0x2  }
0x9f: {  	v3 =	vadd.s32 v0, v3  }
0xa0: {  	v3 =	vcvt.s32.f32 v3;
	_ =	sdelay $0x1  }
0xa1: {  	[tilespmem:v2+s30+$0x0] =	vst.idx.add.f32.msk vm0, v3  }
0xa2: {  	v2 =	vld [tilespmem:$0x3F20];
	_ =	sdelay $0x4  }
0xa3: {  	(xrf1) =	vunique.msk.u32 $0xffff, v2;
	_ =	sdelay $0xd  }
0xa4: {  	_, v3, vm0 =	vpop (xrf1);
	_ =	sdelay $0x2  }
0xa5: {  	v3 =	vadd.s32 v0, v3  }
0xa6: {  	v3 =	vcvt.s32.f32 v3;
	_ =	sdelay $0x1  }
0xa7: {  	[tilespmem:v2+s30+$0x0] =	vst.idx.add.f32.msk vm0, v3  }
0xa8: {  	v2 =	vld [tilespmem:$0x3F30];
	_ =	sdelay $0x4  }
0xa9: {  	(xrf1) =	vunique.msk.u32 $0xffff, v2;
	_ =	sdelay $0xd  }
0xaa: {  	_, v3, vm0 =	vpop (xrf1);
	_ =	sdelay $0x2  }
0xab: {  	v3 =	vadd.s32 v0, v3  }
0xac: {  	v3 =	vcvt.s32.f32 v3;
	_ =	sdelay $0x1  }
0xad: {  	[tilespmem:v2+s30+$0x0] =	vst.idx.add.f32.msk vm0, v3  }
0xae: {  	v2 =	vld [tilespmem:$0x3F40];
	_ =	sdelay $0x4  }
0xaf: {  	(xrf1) =	vunique.msk.u32 $0xffff, v2;
	_ =	sdelay $0xd  }
0xb0: {  	_, v3, vm0 =	vpop (xrf1);
	_ =	sdelay $0x2  }
0xb1: {  	v3 =	vadd.s32 v0, v3  }
0xb2: {  	v3 =	vcvt.s32.f32 v3;
	_ =	sdelay $0x1  }
0xb3: {  	[tilespmem:v2+s30+$0x0] =	vst.idx.add.f32.msk vm0, v3  }
0xb4: {  	_ =	swait.ge [sflag:s31], $0x2800  }
0xb5: {  	[sflag:s31] =	ssyncset.done $0x0  }
0xb6: {  	[sflag:s31] =	ssyncadd.s32 $0xFFFFD800  }
0xb7: {  	[bflag:$0x0] =	sbarrier.arrive $0xFFFF  }
0xb8: {  	[hbm:s23], [sflag:s18] =	dma.local [spmem:s19], $0x2800  }
0xb9: {  	s21 =	sadd.s32 $0x1, s21;
	_ =	swait.ge [sflag:s20], $0x2800  }
0xba: {  	p0 =	sne.s32 s21, s11;
	[sflag:s20] =	ssyncset.done $0x0  }
.Ltmp2:
0xbb: {  	[sflag:s20] =	ssyncadd.s32 $0xFFFFD800;
	(pc) =	sbr.rel @p0 .LBB2_1-.Ltmp2, $4  }
0xbc: {  	[hbm4b:s10+s2] =	stream.linear.scatter [tilespmem:s30], [sflag:$0x7], $0x2800, $0x38;
	[tilespmem:$0x1F900] =	vst v63  }
0xbd: {  	_ =	swait.ge [sflag:s20], $0x2800  }
0xbe: {  	[sflag:s20] =	ssyncset.done $0x0  }
0xbf: {  	[sflag:s20] =	ssyncadd.s32 $0xFFFFD800  }
0xc0: {  	_ =	sfence.sel $0x180000  }
0xc1: {  	[bflag:$0x0] =	sbarrier.arrive $0xFFFF  }
0xc2: {  	_ =	strace $0x9000004A  }
0xc3: {  	s0 =	stileid.u32;
	[bflag:$0x2] =	sbarrier.arrive $0xFFFF  }
0xc4: {  	p0 =	sne.s32 s0, $0x0;
	s0 =	rddreg [dreg:$0x3]  }
0xc5: {  	s0 =	sadd.s32 @!p0 $0x100000, s0  }
0xc6: {  	[sflag:s0] =	ssyncadd.tile.s32 @!p0 $0x1;
	_ =	shalt  }
.Lfunc_end2:
_tile_overlayer_lowered:
.L_overlay_start_2:
0xc7: {  	(tag) =	ssettag $0x2  }
0xc8: {  	s0 =	rddreg [dreg:$0x0];
	s2 =	stileid.u32  }
0xc9: {  	s1 =	rddreg [dreg:$0x1];
	p0 =	sne.s32 s2, $0x0  }
0xca: {  	s3 =	rddreg [dreg:$0x2];
	[bflag:$0x3] =	sbarrier.arrive $0xFFFF;
	s2 =	simm.s32 @!p0 $0x1C07  }
0xcb: {  	[timem:s3], [sflag:s2] =	dma.local @!p0 [hbm:s0], s1  }
0xcc: {  	s0 =	simm.s32 @!p0 $0x7  }
0xcd: {  	_ =	swait.ge @!p0 [sflag:s0], s1  }
0xce: {  	s1 =	ssub.s32 @!p0 $0x0, s1;
	[sflag:s0] =	ssyncset.done @!p0 $0x0  }
0xcf: {  	[sflag:s0] =	ssyncadd.s32 @!p0 s1  }
0xd0: {  	[bflag:$0x3] =	sbarrier.arrive $0xFFFF  }
0xd1: {  	_ =	shalt  }

// kernel: kernel.7.cloned.1.call-start
scs
__scs_entry_jumppad:
0x0: {  	(pc) =	sbr.rel $0x88, $3  }
0x1: {  	(tag) =	ssettag $0x0;
	lr =	simm.s32 $0x1  }
0x2: {  	[smem:$0x3F9A] =	sst lr;
	_ =	strace $0xD0000000  }
0x3: {  	_ = 	snop  }
0x4: {  	_ = 	snop  }
0x5: {  	_ = 	snop  }
0x6: {  	_ = 	snop  }
0x7: {  	_ = 	snop  }
__scs_overlays_trampoline_lowered:
0x8: {  	[smem:$0x3FA9] =	sst s0  }
0x9: {  	[smem:$0x3FAA] =	sst s1  }
0xa: {  	[smem:$0x3FAB] =	sst s2  }
0xb: {  	[smem:$0x3FAC] =	sst s3  }
0xc: {  	[smem:$0x3FAD] =	sst s4  }
0xd: {  	[smem:$0x3FAE] =	sst s5  }
0xe: {  	[smem:$0x3FAF] =	sst s6  }
0xf: {  	[smem:$0x3FB0] =	sst s7  }
0x10: {  	[smem:$0x3FB1] =	sst s8  }
0x11: {  	[smem:$0x3FB2] =	sst s9;
	s0 =	simm.s32 @!p0 $0x0  }
0x12: {  	s1 =	sld [smem:$0x3F98];
	s0 =	simm.s32 @p0 $0x1  }
0x13: {  	[smem:$0x3FB3] =	sst s0;
	s0 =	simm.s32 @!p1 $0x0  }
0x14: {  	s2 =	sld [smem:$0x3F97];
	s0 =	simm.s32 @p1 $0x1  }
0x15: {  	[smem:$0x3FB4] =	sst s0;
	s0 =	simm.s32 @!p2 $0x0  }
0x16: {  	s3 =	sld [smem:$0x3FDB];
	s0 =	simm.s32 @p2 $0x1  }
0x17: {  	s4 =	simm.s32 $0x1BF5;
	[smem:$0x3FB6] =	sst s0  }
0x18: {  	s0 =	sld [smem:$0x3F99];
	_ =	swait.ge [sflag:s4], $0x0  }
0x19: {  	s7 =	sld [smem:$0x3F9A]  }
0x1a: {  	s8 =	sadd.s32 $0xFFFFE003, lr  }
0x1b: {  	s9 =	sadd.s32 $0xFFFFFEF7, lr;
	s5 =	simm.s32 $0xFFFFFFFF;
	p2 =	slt.u32 s8, $0xFFFFF086  }
0x1c: {  	p1 =	slt.u32 s9, $0xF7A;
	s5 =	simm.s32 @!p2 $0x0  }
0x1d: {  	s5 =	simm.s32 @p1 $0x1;
	p0 =	seq.s32 s7, s2  }
0x1e: {  	s7 =	smul.u32 @!p0 $0xF7A, s2;
	p2 =	seq.s32 @!p0 s5, $0x0  }
0x1f: {  	s9 =	smul.u32 $0xF7A, s1;
	s8 =	simm.s32 @!p0 $0x1BF5;
	p2 =	por !p2, p0  }
0x20: {  	[sflag:s8] =	ssyncset.s32 @!p0 $0xFFFFF086;
	s6 =	sadd.s32 @!p0 s3, s7;
	s7 =	simm.s32 @!p0 $0x108  }
0x21: {  	s3 =	sadd.s32 s3, s9;
	s6 =	sadd.s32 @!p0 $0x88, s6;
	s7 =	simm.s32 @p2 $0x1082  }
0x22: {  	[simem:s7], [sflag:s8] =	dma.local @!p0 [hbm:s6], $0xF7A  }
0x23: {  	s9 =	sor.u32 $0xD0000000, s2;
	s6 =	simm.s32 $0x108;
	_ =	swait.ge @!p0 [sflag:s8], $0x0  }
0x24: {  	s3 =	sadd.s32 $0x88, s3;
	s6 =	simm.s32 @!p1 $0x1082;
	[sflag:s4] =	ssyncset.s32 $0xFFFFF086  }
0x25: {  	[simem:s6], [sflag:s4] =	dma.local [hbm:s3], $0xF7A  }
0x26: {  	[smem:$0x3F9A] =	sst s1;
	(tag) =	ssettag s2;
	_ =	strace s9  }
0x27: {  	s1 =	sld [smem:$0x3FAA]  }
0x28: {  	s2 =	sld [smem:$0x3FAB]  }
0x29: {  	s4 =	sld [smem:$0x3FAD]  }
0x2a: {  	p0 =	seq.s32 s5, $0x0;
	s5 =	sld [smem:$0x3FAE]  }
0x2b: {  	s6 =	sld [smem:$0x3FAF]  }
0x2c: {  	s7 =	sld [smem:$0x3FB0]  }
0x2d: {  	s3 =	simm.s32 $0x108;
	s8 =	sld [smem:$0x3FB1]  }
0x2e: {  	s3 =	simm.s32 @!p0 $0x1082;
	s9 =	sld [smem:$0x3FB2]  }
0x2f: {  	lr =	sadd.s32 s0, s3;
	s0 =	sld [smem:$0x3FA9]  }
0x30: {  	s3 =	sld [smem:$0x3FAC]  }
0x31: {  	[smem:$0x3FB5] =	sst s10  }
0x32: {  	s10 =	sld [smem:$0x3FB3];
	_ =	sdelay $0x3  }
0x33: {  	p0 =	seq.s32 s10, $0x1;
	s10 =	sld [smem:$0x3FB5];
	_ =	sdelay $0x3  }
0x34: {  	[smem:$0x3FB5] =	sst s10  }
0x35: {  	s10 =	sld [smem:$0x3FB4];
	_ =	sdelay $0x3  }
0x36: {  	p1 =	seq.s32 s10, $0x1;
	s10 =	sld [smem:$0x3FB5];
	_ =	sdelay $0x3  }
0x37: {  	[smem:$0x3FB5] =	sst s10  }
0x38: {  	s10 =	sld [smem:$0x3FB6]  }
0x39: {  	_ = 	snop;
	(pc) =	sbr.ind lr, $3  }
0x3a: {  	_ = 	snop  }
0x3b: {  	_ = 	snop  }
0x3c: {  	p2 =	seq.s32 s10, $0x1;
	s10 =	sld [smem:$0x3FB5]  }
0x3d: {  	_ =	shalt  }
0x3e: {  	_ =	shalt  }
0x3f: {  	_ =	shalt  }
0x40: {  	_ =	shalt  }
0x41: {  	_ =	shalt  }
0x42: {  	_ =	shalt  }
0x43: {  	_ =	shalt  }
0x44: {  	_ =	shalt  }
0x45: {  	_ =	shalt  }
0x46: {  	_ =	shalt  }
0x47: {  	_ =	shalt  }
0x48: {  	_ =	shalt  }
0x49: {  	_ =	shalt  }
0x4a: {  	_ =	shalt  }
0x4b: {  	_ =	shalt  }
0x4c: {  	_ =	shalt  }
0x4d: {  	_ =	shalt  }
0x4e: {  	_ =	shalt  }
0x4f: {  	_ =	shalt  }
0x50: {  	_ =	shalt  }
0x51: {  	_ =	shalt  }
0x52: {  	_ =	shalt  }
0x53: {  	_ =	shalt  }
0x54: {  	_ =	shalt  }
0x55: {  	_ =	shalt  }
0x56: {  	_ =	shalt  }
0x57: {  	_ =	shalt  }
0x58: {  	_ =	shalt  }
0x59: {  	_ =	shalt  }
0x5a: {  	_ =	shalt  }
0x5b: {  	_ =	shalt  }
0x5c: {  	_ =	shalt  }
0x5d: {  	_ =	shalt  }
0x5e: {  	_ =	shalt  }
0x5f: {  	_ =	shalt  }
0x60: {  	_ =	shalt  }
0x61: {  	_ =	shalt  }
0x62: {  	_ =	shalt  }
0x63: {  	_ =	shalt  }
0x64: {  	_ =	shalt  }
0x65: {  	_ =	shalt  }
0x66: {  	_ =	shalt  }
0x67: {  	_ =	shalt  }
0x68: {  	_ =	shalt  }
0x69: {  	_ =	shalt  }
0x6a: {  	_ =	shalt  }
0x6b: {  	_ =	shalt  }
0x6c: {  	_ =	shalt  }
0x6d: {  	_ =	shalt  }
0x6e: {  	_ =	shalt  }
0x6f: {  	_ =	shalt  }
0x70: {  	_ =	shalt  }
0x71: {  	_ =	shalt  }
0x72: {  	_ =	shalt  }
0x73: {  	_ =	shalt  }
0x74: {  	_ =	shalt  }
0x75: {  	_ =	shalt  }
0x76: {  	_ =	shalt  }
0x77: {  	_ =	shalt  }
0x78: {  	_ =	shalt  }
0x79: {  	_ =	shalt  }
0x7a: {  	_ =	shalt  }
0x7b: {  	_ =	shalt  }
0x7c: {  	_ =	shalt  }
0x7d: {  	_ =	shalt  }
0x7e: {  	_ =	shalt  }
0x7f: {  	_ =	shalt  }
0x80: {  	_ =	shalt  }
0x81: {  	_ =	shalt  }
0x82: {  	_ =	shalt  }
0x83: {  	_ =	shalt  }
0x84: {  	_ =	shalt  }
0x85: {  	_ =	shalt  }
0x86: {  	_ =	shalt  }
0x87: {  	_ =	shalt  }
.Lfunc_end0:
.L_simem_size_0:
called_computation_lowered:
.L_overlay_start_0:
0x88: {  	s2 =	sld [smem:$0x3FD9]  }
0x89: {  	s3 =	sld [smem:$0x3FFE];
	_ =	sdelay $0x1  }
0x8a: {  	s1 =	srdreg.scid  }
0x8b: {  	s0 =	sand.u32 $0x1, s1  }
0x8c: {  	s17 =	sshll.u32 s0, $0xA;
	s2 =	sadd.s32 s3, s2  }
0x8d: {  	s2 =	sadd.s32 s2, s17  }
0x8e: {  	[smem:$0x3FC1] =	sst s2  }
0x8f: {  	_ = 	snop  }
0x90: {  	s2 =	sld [smem:$0x3FD0];
	(tm) =	ssettm $0x1  }
0x91: {  	s18 =	sld [smem:$0x3FFB];
	_ =	sdelay $0x3  }
0x92: {  	_ =	strace s18  }
0x93: {  	s3 =	sld [smem:$0x3FFC];
	_ =	sdelay $0x3  }
0x94: {  	_ =	strace s3  }
0x95: {  	s3 =	sld [smem:$0x3FFD];
	_ =	sdelay $0x3  }
0x96: {  	_ =	strace s3  }
0x97: {  	_ =	strace $0x8FFFFFFF  }
0x98: {  	s19 =	sld [smem:$0x3FDB];
	_ =	sdelay $0x1  }
0x99: {  	s4 =	simm.s32 $_scs_section_size  }
0x9a: {  	s5 =	simm.s32 $_size__tile_overlayer_lowered;
	s6 =	simm.s32 $_tile_overlayer_lowered  }
0x9b: {  	s22 =	simm.s32 $0x1BFF;
	s21 =	sshll.u32 s6, $0x1;
	s3 =	sadd.s32 s4, s19  }
0x9c: {  	s7 =	simm.s32 $0x0;
	s20 =	sshll.u32 s5, $0x1;
	s5 =	sadd.s32 s21, s3  }
0x9d: {  	[timem:s7], [sflag:s22] =	dma.local [hbm:s5], s20  }
0x9e: {  	_ =	swait.ge [sflag:s22], s20  }
0x9f: {  	s4 =	ssub.s32 $0x0, s20;
	[sflag:s22] =	ssyncset.done $0x0  }
0xa0: {  	[sflag:s22] =	ssyncadd.s32 s4;
	_ =	sdelay $0x1  }
0xa1: {  	s23 =	simm.s32 $0x1B8B  }
0xa2: {  	_ =	swait.ge [sflag:s23], $0x1  }
0xa3: {  	[sflag:s23] =	ssyncset.done $0x0  }
0xa4: {  	s25 =	simm.s32 $0x1B8E;
	s24 =	sld [smem:$0x3FFE];
	[sflag:s23] =	ssyncadd.s32 $0xFFFFFFFF  }
0xa5: {  	s26 =	simm.s32 $execute0_lowered;
	[smem:$0x3FD2] =	sst s25  }
0xa6: {  	s5 =	sshll.u32 s26, $0x1;
	_ =	strace $0x80000046;
	[dreg:$0x1] =	wrdreg $0xFFFFFFFF  }
0xa7: {  	s28 =	simm.s32 $_size_execute0_lowered;
	s3 =	sadd.s32 s3, s5;
	[dreg:$0x0] =	wrdreg $0x0  }
0xa8: {  	s5 =	sshll.u32 s28, $0x1;
	[dreg:$0x2] =	wrdreg s3  }
0xa9: {  	[dreg:$0x3] =	wrdreg s5  }
0xaa: {  	[dreg:$0x4] =	wrdreg $0xC0  }
0xab: {  	_ =	task [dreg:s7], $0x5FFFF  }
0xac: {  	[dreg:$0x1] =	wrdreg $0xFFFFFFFF  }
0xad: {  	[dreg:$0x0] =	wrdreg $0x60  }
0xae: {  	[dreg:$0x2] =	wrdreg s2  }
0xaf: {  	[dreg:$0x3] =	wrdreg s24  }
0xb0: {  	[dreg:$0x4] =	wrdreg $0xB9000  }
0xb1: {  	[dreg:$0x5] =	wrdreg $0x9  }
0xb2: {  	_ =	task.clear_ibuf [dreg:s7], $0x6FFFF;
	_ =	strace $0x90000046  }
0xb3: {  	s29 =	simm.s32 $0x9;
	_ =	strace $0x80000048  }
0xb4: {  	_ =	swait.ge [sflag:s29], $0x1  }
0xb5: {  	[sflag:s29] =	ssyncadd.s32 $0xFFFFFFFF  }
0xb6: {  	_ =	strace $0x90000048  }
0xb7: {  	_ =	sfence  }
0xb8: {  	s30 =	sld [smem:$0x0];
	_ =	sdelay $0x2  }
0xb9: {  	s31 =	sshll.u32 s1, $0xD;
	s1 =	sshrl.u32 s1, $0x2  }
0xba: {  	s3 =	sand.u32 $0x4000, s31;
	s1 =	sadd.s32 s1, s30  }
0xbb: {  	s0 =	sor.u32 s3, s0;
	s1 =	sshll.u32 s1, $0x11  }
0xbc: {  	s0 =	sor.u32 s1, s0  }
0xbd: {  	s0 =	sadd.s32 $0x8F2B, s0  }
0xbe: {  	[sflag:s0] =	ssyncadd.remote.s32 $0x1  }
0xbf: {  	_ =	sfence.sel $0xFFFF  }
0xc0: {  	[dreg:$0x0] =	wrdreg $0xFFFFFFFF;
	(pc) =	sbr.abs _section_cstart, $3  }
0xc1: {  	[dreg:$0x1] =	wrdreg $0xFFFFFFFF  }
0xc2: {  	_ =	task.clear_ibuf [dreg:s7], $0x2FFFF;
	_ =	strace $0x9FFFFFFF  }
0xc3: {  	(tm) =	ssettm $0x7FFFFFFF  }
tec
execute0_lowered:
.L_overlay_start_1:
0x0: {  	(tag) =	ssettag $0x1  }
0x1: {  	s1 =	rddreg [dreg:$0x0]  }
0x2: {  	s0 =	rddreg [dreg:$0x1];
	s3 =	simm.s32 $0x0  }
0x3: {  	[smem:$0x7FF] =	sst s3  }
0x4: {  	s2 =	rddreg [dreg:$0x2];
	v0 =	vimm.s32 $0x0;
	_ =	strace $0x80000047  }
0x5: {  	(xrf1) =	vunique.msk.u32 $0xffff, v0;
	_ =	sdelay $0xd  }
0x6: {  	_, v0, _ =	vpop (xrf1)  }
0x7: {  	v0 =	vxor.u32 $0x80000000, v0  }
0x8: {  	(xrf0) =	vmax.scan.msk.u32 $0xffff, v0;
	_ =	sdelay $0x5  }
0x9: {  	v0, _, _ =	vpop (xrf0)  }
0xa: {  	s4 =	srdreg.scid;
	s17 =	stileid.u32;
	(v2sf) =	vpush v0, $0xF  }
0xb: {  	s13 =	simm.s32 $0x3;
	s14 =	simm.s32 $0x28;
	s15 =	simm.s32 $0x4100  }
0xc: {  	s16 =	simm.s32 $0x5500;
	s28 =	simm.s32 $0x1;
	s29 =	simm.s32 $0x50  }
0xd: {  	s30 =	simm.s32 $0x9100;
	s31 =	simm.s32 $0x5;
	s6 =	smul.u32 $0x2800, s17  }
0xe: {  	s4 =	sand.u32 $0x1, s4;
	s11 =	smul.u32 $0x50000, s17;
	s26 =	sshll.u32 s17, $0x6  }
0xf: {  	s5 =	sshll.u32 s4, $0x4;
	s8 =	smul.u32 $0x28000, s4;
	s4 =	ssub.s32 $0x2, s4  }
0x10: {  	s18 =	sor.u32 $0x1C07, s26;
	s26 =	simm.s32 $0x7D00;
	s5 =	sor.u32 s17, s5  }
0x11: {  	s9 =	sadd.s32 s6, s0;
	s20 =	sshrl.u32 s4, $0x1;
	s21 =	sshrl.u32 s11, $0x2  }
0x12: {  	s17 =	simm.s32 $0x80;
	s7 =	sshll.u32 s5, $0xB;
	s10 =	sadd.s32 s8, s0  }
0x13: {  	s5 =	smul.u32 $0x500, s5;
	s4 =	ssub.s32 s4, s20;
	s12 =	sadd.s32 s21, s2  }
0x14: {  	s24 =	sadd.s32 $0x22600, s9;
	s20 =	simm.s32 $0x7;
	s7 =	sadd.s32 s7, s0  }
0x15: {  	[dreg:$0x6] =	wrdreg s24;
	s21 =	sadd.s32 $0x4A600, s10;
	s11 =	smax.u32 s4, $0x1  }
0x16: {  	s24 =	simm.s32 $0x6900;
	s4 =	simm.s32 $0x6;
	s22 =	sadd.s32 $0x12600, s7  }
0x17: {  	s0 =	sadd.s32 s5, s0;
	s23 =	sadd.s32 $0x12610, s7;
	[dreg:$0x4] =	wrdreg s22  }
0x18: {  	s25 =	sadd.s32 $0x2600, s7;
	s9 =	sadd.s32 $0x12630, s7;
	[dreg:$0x5] =	wrdreg s23  }
0x19: {  	s7 =	sadd.s32 $0x12620, s7;
	[dreg:$0x7] =	wrdreg s25;
	s19 =	spop (v2sf)  }
0x1a: {  	s10 =	sadd.s32 $0x9A600, s0;
	s22 =	simm.s32 $0x4;
	s8 =	sxor.u32 $0x80000000, s19  }
0x1b: {  	s23 =	sadd.s32 s6, s21;
	s25 =	simm.s32 $0xA8;
	s5 =	ssub.s32 $0x10, s8  }
0x1c: {  	v1 =	vimm.f32 $0.0e+00;
	s0 =	simm.s32 $0x2;
	s21 =	simm.s32 $0x0;
	s19 =	sshrl.u32 s12, $0x3;
	v0 =	vmov s5  }
.LBB2_1:
0x1d: {  	s5 =	rddreg [dreg:$0x4]  }
0x1e: {  	[tilespmem:s3], [sflag:$0x3] =	stream.linear.gather [hbm4b:s5+s3], $0x80, $0x38;
	[tilespmem:$0x1F900] =	vst v63  }
0x1f: {  	_ =	swait.ge [sflag:s13], $0x80  }
0x20: {  	[sflag:s13] =	ssyncset.done $0x0  }
0x21: {  	[sflag:s13] =	ssyncadd.s32 $0xFFFFFF80  }
0x22: {  	[tilespmem:s15], [sflag:$0x1] =	stream.indirect.gather [hbm4b:s1+s14], $0x80, s3, s14, $0xb8;
	[tilespmem:$0x1F900] =	vst v63  }
0x23: {  	s6 =	rddreg [dreg:$0x5]  }
0x24: {  	[tilespmem:s16], [sflag:$0x1] =	stream.indirect.gather [hbm4b:s1+s14], $0x80, s14, s14, $0xb8;
	[tilespmem:$0x1F900] =	vst v63  }
0x25: {  	s8 =	rddreg [dreg:$0x6]  }
0x26: {  	[tilespmem:s17], [sflag:$0x4] =	stream.linear.gather [hbm4b:s6+s3], $0x80, $0x38;
	[tilespmem:$0x1F900] =	vst v63  }
0x27: {  	[spmem:s19], [sflag:s18] =	dma.local [hbm:s8], $0x2800  }
0x28: {  	_ =	swait.ge [sflag:s20], $0x2800  }
0x29: {  	[sflag:s20] =	ssyncset.done $0x0  }
0x2a: {  	s6 =	simm.s32 $0x100;
	s12 =	rddreg [dreg:$0x7];
	[sflag:s20] =	ssyncadd.s32 $0xFFFFD800  }
0x2b: {  	[tilespmem:s6], [sflag:$0x7] =	stream.linear.gather [hbm4b:s12+s3], $0x3E80, $0x38;
	[tilespmem:$0x1F900] =	vst v63  }
0x2c: {  	_ =	swait.ge [sflag:s20], $0x3E80  }
0x2d: {  	[sflag:s20] =	ssyncset.done $0x0  }
0x2e: {  	s5 =	simm.s32 $0x40;
	s6 =	simm.s32 $0x0;
	[sflag:s20] =	ssyncadd.s32 $0xFFFFC180  }
.LBB2_2:
0x2f: {  	p0 =	sne.s32 s5, $0x9FC0;
	[tilespmem:s6+$0x9100] =	vst v1;
	s6 =	smov.u32 s5;
	s5 =	sadd.s32 $0x40, s5  }
.Ltmp0:
0x30: {  	(pc) =	sbr.rel @p0 .LBB2_2-.Ltmp0, $2  }
0x31: {  	_ =	sdelay $0x2  }
0x32: {  	s6 =	sshra.s32 s6, $0x2  }
0x33: {  	[tilespmem:s6+$0x9100] =	vst v1  }
0x34: {  	_ =	swait.ge [sflag:s22], $0x80  }
0x35: {  	[sflag:s22] =	ssyncset.done $0x0  }
0x36: {  	s5 =	simm.s32 $0x0;
	[sflag:s22] =	ssyncadd.s32 $0xFFFFFF80  }
0x37: {  	s6 =	simm.s32 $0x180;
	s12 =	smov.u32 s7;
	[bflag:$0x0] =	sbarrier.arrive $0xFFFF  }
.LBB2_4:
0x38: {  	[tilespmem:s24], [sflag:$0x2] =	stream.indirect.gather [hbm4b:s1+s14], $0x80, s17, s14, $0xb8;
	[tilespmem:$0x1F900] =	vst v63  }
0x39: {  	_ = 	snop  }
0x3a: {  	[tilespmem:s26], [sflag:$0x2] =	stream.indirect.gather [hbm4b:s1+s14], $0x80, s25, s14, $0xb8;
	[tilespmem:$0x1F900] =	vst v63  }
0x3b: {  	_ =	swait.ge [sflag:s28], $0x2800  }
0x3c: {  	[sflag:s28] =	ssyncset.done $0x0  }
0x3d: {  	[sflag:s28] =	ssyncadd.s32 $0xFFFFD800  }
0x3e: {  	[tilespmem:s3], [sflag:$0x3] =	stream.linear.gather [hbm4b:s12+s3], $0x80, $0x38;
	[tilespmem:$0x1F900] =	vst v63  }
0x3f: {  	s8 =	sadd.s32 $0xFFFFFF80, s6  }
0x40: {  	[spmem:s2] =	stream.indirect.scatter.add.f32 [tilespmem:s15], [sflag:$0x5], $0x80, s8, s29, $0xb8;
	[tilespmem:$0x1F900] =	vst v63  }
0x41: {  	v2 =	vld [tilespmem:s6+$0xFFFFFF80];
	_ =	sdelay $0x4  }
0x42: {  	(xrf1) =	vunique.msk.u32 $0xffff, v2;
	_ =	sdelay $0xd  }
0x43: {  	_, v3, vm0 =	vpop (xrf1);
	_ =	sdelay $0x2  }
0x44: {  	v3 =	vadd.s32 v0, v3  }
0x45: {  	v3 =	vcvt.s32.f32 v3;
	_ =	sdelay $0x1  }
0x46: {  	[tilespmem:v2+s30+$0x0] =	vst.idx.add.f32.msk vm0, v3  }
0x47: {  	v2 =	vld [tilespmem:s6+$0xFFFFFF90];
	_ =	sdelay $0x4  }
0x48: {  	(xrf1) =	vunique.msk.u32 $0xffff, v2;
	_ =	sdelay $0xd  }
0x49: {  	_, v3, vm0 =	vpop (xrf1);
	_ =	sdelay $0x2  }
0x4a: {  	v3 =	vadd.s32 v0, v3  }
0x4b: {  	v3 =	vcvt.s32.f32 v3;
	_ =	sdelay $0x1  }
0x4c: {  	[tilespmem:v2+s30+$0x0] =	vst.idx.add.f32.msk vm0, v3  }
0x4d: {  	v2 =	vld [tilespmem:s6+$0xFFFFFFA0];
	_ =	sdelay $0x4  }
0x4e: {  	(xrf1) =	vunique.msk.u32 $0xffff, v2;
	_ =	sdelay $0xd  }
0x4f: {  	_, v3, vm0 =	vpop (xrf1);
	_ =	sdelay $0x2  }
0x50: {  	v3 =	vadd.s32 v0, v3  }
0x51: {  	v3 =	vcvt.s32.f32 v3;
	_ =	sdelay $0x1  }
0x52: {  	[tilespmem:v2+s30+$0x0] =	vst.idx.add.f32.msk vm0, v3  }
0x53: {  	v2 =	vld [tilespmem:s6+$0xFFFFFFB0];
	_ =	sdelay $0x4  }
0x54: {  	(xrf1) =	vunique.msk.u32 $0xffff, v2;
	_ =	sdelay $0xd  }
0x55: {  	_, v3, vm0 =	vpop (xrf1);
	_ =	sdelay $0x2  }
0x56: {  	v3 =	vadd.s32 v0, v3  }
0x57: {  	v3 =	vcvt.s32.f32 v3;
	_ =	sdelay $0x1  }
0x58: {  	[tilespmem:v2+s30+$0x0] =	vst.idx.add.f32.msk vm0, v3  }
0x59: {  	v2 =	vld [tilespmem:s6+$0xFFFFFFC0];
	_ =	sdelay $0x4  }
0x5a: {  	(xrf1) =	vunique.msk.u32 $0xffff, v2;
	_ =	sdelay $0xd  }
0x5b: {  	_, v3, vm0 =	vpop (xrf1);
	_ =	sdelay $0x2  }
0x5c: {  	v3 =	vadd.s32 v0, v3  }
0x5d: {  	v3 =	vcvt.s32.f32 v3;
	_ =	sdelay $0x1  }
0x5e: {  	[tilespmem:v2+s30+$0x0] =	vst.idx.add.f32.msk vm0, v3  }
0x5f: {  	_ =	swait.ge [sflag:s13], $0x80  }
0x60: {  	[sflag:s13] =	ssyncset.done $0x0  }
0x61: {  	[sflag:s13] =	ssyncadd.s32 $0xFFFFFF80  }
0x62: {  	_ =	swait.ge [sflag:s31], $0x2800  }
0x63: {  	[sflag:s31] =	ssyncset.done $0x0  }
0x64: {  	[sflag:s31] =	ssyncadd.s32 $0xFFFFD800  }
0x65: {  	[tilespmem:s15], [sflag:$0x1] =	stream.indirect.gather [hbm4b:s1+s14], $0x80, s3, s14, $0xb8;
	[tilespmem:$0x1F900] =	vst v63  }
0x66: {  	_ = 	snop  }
0x67: {  	[tilespmem:s16], [sflag:$0x1] =	stream.indirect.gather [hbm4b:s1+s14], $0x80, s14, s14, $0xb8;
	[tilespmem:$0x1F900] =	vst v63  }
0x68: {  	s8 =	smin.u32 s5, $0x79;
	_ =	swait.ge [sflag:s0], $0x2800  }
0x69: {  	s8 =	sshll.u32 s8, $0x4;
	[sflag:s0] =	ssyncset.done $0x0  }
0x6a: {  	s8 =	sadd.s32 s8, s9;
	[sflag:s0] =	ssyncadd.s32 $0xFFFFD800  }
0x6b: {  	[tilespmem:s17], [sflag:$0x4] =	stream.linear.gather [hbm4b:s8+s3], $0x80, $0x38;
	[tilespmem:$0x1F900] =	vst v63  }
0x6c: {  	_ = 	snop  }
0x6d: {  	[spmem:s2] =	stream.indirect.scatter.add.f32 [tilespmem:s24], [sflag:$0x6], $0x80, s6, s29, $0xb8;
	[tilespmem:$0x1F900] =	vst v63  }
0x6e: {  	v2 =	vld [tilespmem:s6+$0x0];
	_ =	sdelay $0x4  }
0x6f: {  	(xrf1) =	vunique.msk.u32 $0xffff, v2;
	_ =	sdelay $0xd  }
0x70: {  	_, v3, vm0 =	vpop (xrf1);
	_ =	sdelay $0x2  }
0x71: {  	v3 =	vadd.s32 v0, v3  }
0x72: {  	v3 =	vcvt.s32.f32 v3;
	_ =	sdelay $0x1  }
0x73: {  	[tilespmem:v2+s30+$0x0] =	vst.idx.add.f32.msk vm0, v3  }
0x74: {  	v2 =	vld [tilespmem:s6+$0x10];
	_ =	sdelay $0x4  }
0x75: {  	(xrf1) =	vunique.msk.u32 $0xffff, v2;
	_ =	sdelay $0xd  }
0x76: {  	_, v3, vm0 =	vpop (xrf1);
	_ =	sdelay $0x2  }
0x77: {  	v3 =	vadd.s32 v0, v3  }
0x78: {  	v3 =	vcvt.s32.f32 v3;
	_ =	sdelay $0x1  }
0x79: {  	[tilespmem:v2+s30+$0x0] =	vst.idx.add.f32.msk vm0, v3  }
0x7a: {  	v2 =	vld [tilespmem:s6+$0x20];
	_ =	sdelay $0x4  }
0x7b: {  	(xrf1) =	vunique.msk.u32 $0xffff, v2;
	_ =	sdelay $0xd  }
0x7c: {  	_, v3, vm0 =	vpop (xrf1);
	_ =	sdelay $0x2  }
0x7d: {  	v3 =	vadd.s32 v0, v3  }
0x7e: {  	v3 =	vcvt.s32.f32 v3;
	_ =	sdelay $0x1  }
0x7f: {  	[tilespmem:v2+s30+$0x0] =	vst.idx.add.f32.msk vm0, v3  }
0x80: {  	v2 =	vld [tilespmem:s6+$0x30];
	_ =	sdelay $0x4  }
0x81: {  	(xrf1) =	vunique.msk.u32 $0xffff, v2;
	_ =	sdelay $0xd  }
0x82: {  	_, v3, vm0 =	vpop (xrf1);
	_ =	sdelay $0x2  }
0x83: {  	v3 =	vadd.s32 v0, v3  }
0x84: {  	v3 =	vcvt.s32.f32 v3;
	_ =	sdelay $0x1  }
0x85: {  	[tilespmem:v2+s30+$0x0] =	vst.idx.add.f32.msk vm0, v3  }
0x86: {  	v2 =	vld [tilespmem:s6+$0x40];
	_ =	sdelay $0x4  }
0x87: {  	(xrf1) =	vunique.msk.u32 $0xffff, v2;
	_ =	sdelay $0xd  }
0x88: {  	_, v3, vm0 =	vpop (xrf1);
	_ =	sdelay $0x2  }
0x89: {  	v3 =	vadd.s32 v0, v3  }
0x8a: {  	v3 =	vcvt.s32.f32 v3;
	_ =	sdelay $0x1  }
0x8b: {  	[tilespmem:v2+s30+$0x0] =	vst.idx.add.f32.msk vm0, v3  }
0x8c: {  	p0 =	sne.s32 s5, $0x7A;
	_ =	swait.ge [sflag:s22], $0x80  }
.Ltmp1:
0x8d: {  	[sflag:s22] =	ssyncset.done $0x0;
	(pc) =	sbr.rel @p0 .LBB2_4-.Ltmp1, $4  }
0x8e: {  	[sflag:s22] =	ssyncadd.s32 $0xFFFFFF80  }
0x8f: {  	_ =	swait.ge [sflag:s4], $0x2800  }
0x90: {  	s12 =	sadd.s32 $0x20, s12;
	[sflag:s4] =	ssyncset.done $0x0  }
0x91: {  	s5 =	sadd.s32 $0x2, s5;
	s6 =	sadd.s32 $0x100, s6;
	[sflag:s4] =	ssyncadd.s32 $0xFFFFD800  }
0x92: {  	_ =	swait.ge [sflag:s28], $0x2800  }
0x93: {  	[sflag:s28] =	ssyncset.done $0x0  }
0x94: {  	s5 =	simm.s32 $0x3F00;
	[sflag:s28] =	ssyncadd.s32 $0xFFFFD800  }
0x95: {  	[spmem:s2] =	stream.indirect.scatter.add.f32 [tilespmem:s15], [sflag:$0x5], $0x80, s5, s29, $0xb8;
	[tilespmem:$0x1F900] =	vst v63  }
0x96: {  	v2 =	vld [tilespmem:$0x3F00];
	_ =	sdelay $0x4  }
0x97: {  	(xrf1) =	vunique.msk.u32 $0xffff, v2;
	_ =	sdelay $0xd  }
0x98: {  	_, v3, vm0 =	vpop (xrf1);
	_ =	sdelay $0x2  }
0x99: {  	v3 =	vadd.s32 v0, v3  }
0x9a: {  	v3 =	vcvt.s32.f32 v3;
	_ =	sdelay $0x1  }
0x9b: {  	[tilespmem:v2+s30+$0x0] =	vst.idx.add.f32.msk vm0, v3  }
0x9c: {  	v2 =	vld [tilespmem:$0x3F10];
	_ =	sdelay $0x4  }
0x9d: {  	(xrf1) =	vunique.msk.u32 $0xffff, v2;
	_ =	sdelay $0xd  }
0x9e: {  	_, v3, vm0 =	vpop (xrf1);
	_ =	sdelay $0x2  }
0x9f: {  	v3 =	vadd.s32 v0, v3  }
0xa0: {  	v3 =	vcvt.s32.f32 v3;
	_ =	sdelay $0x1  }
0xa1: {  	[tilespmem:v2+s30+$0x0] =	vst.idx.add.f32.msk vm0, v3  }
0xa2: {  	v2 =	vld [tilespmem:$0x3F20];
	_ =	sdelay $0x4  }
0xa3: {  	(xrf1) =	vunique.msk.u32 $0xffff, v2;
	_ =	sdelay $0xd  }
0xa4: {  	_, v3, vm0 =	vpop (xrf1);
	_ =	sdelay $0x2  }
0xa5: {  	v3 =	vadd.s32 v0, v3  }
0xa6: {  	v3 =	vcvt.s32.f32 v3;
	_ =	sdelay $0x1  }
0xa7: {  	[tilespmem:v2+s30+$0x0] =	vst.idx.add.f32.msk vm0, v3  }
0xa8: {  	v2 =	vld [tilespmem:$0x3F30];
	_ =	sdelay $0x4  }
0xa9: {  	(xrf1) =	vunique.msk.u32 $0xffff, v2;
	_ =	sdelay $0xd  }
0xaa: {  	_, v3, vm0 =	vpop (xrf1);
	_ =	sdelay $0x2  }
0xab: {  	v3 =	vadd.s32 v0, v3  }
0xac: {  	v3 =	vcvt.s32.f32 v3;
	_ =	sdelay $0x1  }
0xad: {  	[tilespmem:v2+s30+$0x0] =	vst.idx.add.f32.msk vm0, v3  }
0xae: {  	v2 =	vld [tilespmem:$0x3F40];
	_ =	sdelay $0x4  }
0xaf: {  	(xrf1) =	vunique.msk.u32 $0xffff, v2;
	_ =	sdelay $0xd  }
0xb0: {  	_, v3, vm0 =	vpop (xrf1);
	_ =	sdelay $0x2  }
0xb1: {  	v3 =	vadd.s32 v0, v3  }
0xb2: {  	v3 =	vcvt.s32.f32 v3;
	_ =	sdelay $0x1  }
0xb3: {  	[tilespmem:v2+s30+$0x0] =	vst.idx.add.f32.msk vm0, v3  }
0xb4: {  	_ =	swait.ge [sflag:s31], $0x2800  }
0xb5: {  	[sflag:s31] =	ssyncset.done $0x0  }
0xb6: {  	[sflag:s31] =	ssyncadd.s32 $0xFFFFD800  }
0xb7: {  	[bflag:$0x0] =	sbarrier.arrive $0xFFFF  }
0xb8: {  	[hbm:s23], [sflag:s18] =	dma.local [spmem:s19], $0x2800  }
0xb9: {  	s21 =	sadd.s32 $0x1, s21;
	_ =	swait.ge [sflag:s20], $0x2800  }
0xba: {  	p0 =	sne.s32 s21, s11;
	[sflag:s20] =	ssyncset.done $0x0  }
.Ltmp2:
0xbb: {  	[sflag:s20] =	ssyncadd.s32 $0xFFFFD800;
	(pc) =	sbr.rel @p0 .LBB2_1-.Ltmp2, $4  }
0xbc: {  	[hbm4b:s10+s3] =	stream.linear.scatter [tilespmem:s30], [sflag:$0x7], $0x2800, $0x38;
	[tilespmem:$0x1F900] =	vst v63  }
0xbd: {  	_ =	swait.ge [sflag:s20], $0x2800  }
0xbe: {  	[sflag:s20] =	ssyncset.done $0x0  }
0xbf: {  	[sflag:s20] =	ssyncadd.s32 $0xFFFFD800  }
0xc0: {  	_ =	sfence.sel $0x180000  }
0xc1: {  	[bflag:$0x0] =	sbarrier.arrive $0xFFFF  }
0xc2: {  	_ =	strace $0x90000047  }
0xc3: {  	s0 =	stileid.u32;
	[bflag:$0x2] =	sbarrier.arrive $0xFFFF  }
0xc4: {  	p0 =	sne.s32 s0, $0x0;
	s0 =	rddreg [dreg:$0x3]  }
0xc5: {  	s0 =	sadd.s32 @!p0 $0x100000, s0  }
0xc6: {  	[sflag:s0] =	ssyncadd.tile.s32 @!p0 $0x1;
	_ =	shalt  }
.Lfunc_end2:
_tile_overlayer_lowered:
.L_overlay_start_2:
0xc7: {  	(tag) =	ssettag $0x2  }
0xc8: {  	s0 =	rddreg [dreg:$0x0];
	s2 =	stileid.u32  }
0xc9: {  	s1 =	rddreg [dreg:$0x1];
	p0 =	sne.s32 s2, $0x0  }
0xca: {  	s3 =	rddreg [dreg:$0x2];
	[bflag:$0x3] =	sbarrier.arrive $0xFFFF;
	s2 =	simm.s32 @!p0 $0x1C07  }
0xcb: {  	[timem:s3], [sflag:s2] =	dma.local @!p0 [hbm:s0], s1  }
0xcc: {  	s0 =	simm.s32 @!p0 $0x7  }
0xcd: {  	_ =	swait.ge @!p0 [sflag:s0], s1  }
0xce: {  	s1 =	ssub.s32 @!p0 $0x0, s1;
	[sflag:s0] =	ssyncset.done @!p0 $0x0  }
0xcf: {  	[sflag:s0] =	ssyncadd.s32 @!p0 s1  }
0xd0: {  	[bflag:$0x3] =	sbarrier.arrive $0xFFFF  }
0xd1: {  	_ =	shalt  }

</sc_bundles>
